<compile_context>
chip_gen: v7x
topology: tpu7x:2x2x1
jax: 0.10.2.dev20260603
libtpu: 0.0.44.dev20260713+nightly
codegen_flags: <defaults>
</compile_context>

<pallas_src>
import jax
import jax.numpy as jnp
from jax import lax
from jax.experimental import pallas as pl
from jax.experimental.pallas import tpu as pltpu
from jax.experimental.pallas import tpu_sc as plsc

_info = plsc.get_sparse_core_info()
NC, NS = _info.num_cores, _info.num_subcores
NW = NC * NS

NSAMP = 4096
SEQ = 50
D = 128
B = NSAMP * SEQ
CH = NSAMP // NW
NCH = SEQ
NBUF = 5


def _body(tok_hbm, w_hbm, out_hbm, idx_v, rows_v, *sems):
  gsems, wsems = sems[:NBUF], sems[NBUF:]
  wid = lax.axis_index("s") * NC + lax.axis_index("c")
  col0 = wid * CH

  pltpu.sync_copy(tok_hbm.at[:, pl.ds(col0, CH)], idx_v)

  def start_gather(c, b):
    pltpu.async_copy(w_hbm.at[idx_v.at[c]], rows_v.at[b], gsems[b])

  def wb_desc(c, b):
    return pltpu.make_async_copy(
        rows_v.at[b], out_hbm.at[pl.ds(c * NSAMP + col0, CH)], wsems[b])

  for b in range(NBUF):
    start_gather(b, b)

  @pl.loop(0, NCH, step=NBUF)
  def _(g0):
    for b in range(NBUF):
      g = g0 + b
      pltpu.make_async_copy(w_hbm.at[idx_v.at[g]], rows_v.at[b], gsems[b]).wait()
      wb_desc(g, b).start()
      pb = (b - 1) % NBUF

      @pl.when(g > 0)
      def _():
        wb_desc(g - 1, pb).wait()
      nxt = g - 1 + NBUF

      @pl.when((g > 0) & (nxt < NCH))
      def _():
        start_gather(nxt, pb)

  wb_desc(NCH - 1, (NCH - 1) % NBUF).wait()


@jax.jit
def kernel(token_ids, weight):
  tok = token_ids.T.astype(jnp.int32)
  mesh = plsc.VectorSubcoreMesh(core_axis_name="c", subcore_axis_name="s")
  call = pl.kernel(
      _body,
      out_type=jax.ShapeDtypeStruct((B, D), jnp.float32),
      mesh=mesh,
      scratch_types=[
          pltpu.VMEM((NCH, CH), jnp.int32),
          pltpu.VMEM((NBUF, CH, D), jnp.float32),
      ] + [pltpu.SemaphoreType.DMA] * (2 * NBUF),
      compiler_params=pltpu.CompilerParams(use_tc_tiling_on_sc=True),
  )
  out = call(tok, weight)
  return out.reshape(SEQ, NSAMP, D).transpose(1, 0, 2)

# --- scband reference (transcript-rebuilt; emitter-appended) ---
"""Pipeline reference for scband-embedding-5093831213370 (READ-ONLY COPY).

The authoritative reference and input builder live on the scoring server;
editing this copy changes nothing except your own understanding.
"""

import jax, jax.numpy as jnp
import numpy as np

NUM_EMBEDDINGS = 100000
EMBEDDING_DIM = 128

def setup_inputs(seed: int = 0) -> dict:
    key = jax.random.key(seed)
    k1, k2 = jax.random.split(key)
    token_ids = jax.random.randint(k1, (4096, 50), 0, NUM_EMBEDDINGS, dtype=jnp.int64 if jax.config.jax_enable_x64 else jnp.int32)
    weight = jax.random.normal(k2, (NUM_EMBEDDINGS, EMBEDDING_DIM), dtype=jnp.float32)
    return {"token_ids": token_ids, "weight": weight}

def reference(token_ids, weight):
    # Faithful translation of: self.weight[token_ids]
    return jnp.take(weight, token_ids, axis=0)

if __name__ == "__main__":
    import jax
    _d = setup_inputs()
    print(jax.jit(kernel)(*tuple(_d.values())))

</pallas_src>

<mosaic_0001>
#map = affine_map<(d0, d1) -> (0, 0)>
module attributes {stable_mosaic.version = 14 : i64} {
  func.func @_body(%arg0: i32, %arg1: i32, %arg2: memref<50x4096xi32, #tpu.memory_space<hbm>>, %arg3: memref<100000x128xf32, #tpu.memory_space<hbm>>, %arg4: memref<204800x128xf32, #tpu.memory_space<hbm>>, %arg5: memref<50x128xi32, #tpu.memory_space<vmem>>, %arg6: memref<5x128x128xf32, #tpu.memory_space<vmem>>, %arg7: memref<!tpu.dma_semaphore, #tpu.memory_space<semaphore_mem>>, %arg8: memref<!tpu.dma_semaphore, #tpu.memory_space<semaphore_mem>>, %arg9: memref<!tpu.dma_semaphore, #tpu.memory_space<semaphore_mem>>, %arg10: memref<!tpu.dma_semaphore, #tpu.memory_space<semaphore_mem>>, %arg11: memref<!tpu.dma_semaphore, #tpu.memory_space<semaphore_mem>>, %arg12: memref<!tpu.dma_semaphore, #tpu.memory_space<semaphore_mem>>, %arg13: memref<!tpu.dma_semaphore, #tpu.memory_space<semaphore_mem>>, %arg14: memref<!tpu.dma_semaphore, #tpu.memory_space<semaphore_mem>>, %arg15: memref<!tpu.dma_semaphore, #tpu.memory_space<semaphore_mem>>, %arg16: memref<!tpu.dma_semaphore, #tpu.memory_space<semaphore_mem>>) attributes {dimension_semantics = [#tpu.dimension_semantics<core_parallel>, #tpu.dimension_semantics<subcore_parallel>], iteration_bounds = array<i64: 2, 16>, scalar_prefetch = 0 : i64, scratch_operands = 12 : i64, tpu.core_type = #tpu.core_type<sc_vector_subcore>, window_params = [{transform_indices = #map}, {transform_indices = #map}, {transform_indices = #map}]} {
    %mul3A = arith.constant 2 : i32
    %mul3A_0 = arith.muli %arg1, %mul3A : i32
    %add3A = arith.addi %mul3A_0, %arg0 : i32
    %mul3A_1 = arith.constant 128 : i32
    %mul3A_2 = arith.muli %add3A, %mul3A_1 : i32
    "tpu.region"() ({
      %run_scoped3A = tpu.sem_alloc : memref<!tpu.dma_semaphore, #tpu.memory_space<semaphore_mem>>
      %dma_start3A_80 = arith.constant 0 : i32
      %dma_start3A_81 = tpu.memref_slice %arg2[%dma_start3A_80, %mul3A_2] : memref<50x4096xi32, #tpu.memory_space<hbm>> -> memref<50x128xi32, #tpu.memory_space<hbm>>
      %dma_start3A_82 = arith.constant 0 : i32
      %dma_start3A_83 = tpu.memref_slice %arg2[%dma_start3A_82, %mul3A_2] : memref<50x4096xi32, #tpu.memory_space<hbm>> -> memref<50x128xi32, #tpu.memory_space<hbm>>
      tpu.enqueue_dma source(%dma_start3A_83 : memref<50x128xi32, #tpu.memory_space<hbm>>) target(%arg5 : memref<50x128xi32, #tpu.memory_space<vmem>>) target_semaphore(%run_scoped3A : memref<!tpu.dma_semaphore, #tpu.memory_space<semaphore_mem>>)
      %dma_wait3A_84 = arith.constant 0 : i32
      %dma_wait3A_85 = tpu.memref_slice %arg2[%dma_wait3A_84, %mul3A_2] : memref<50x4096xi32, #tpu.memory_space<hbm>> -> memref<50x128xi32, #tpu.memory_space<hbm>>
      %dma_wait3A_86 = arith.constant 0 : i32
      %dma_wait3A_87 = tpu.memref_slice %arg2[%dma_wait3A_86, %mul3A_2] : memref<50x4096xi32, #tpu.memory_space<hbm>> -> memref<50x128xi32, #tpu.memory_space<hbm>>
      tpu.wait_dma2 semaphore(%run_scoped3A : memref<!tpu.dma_semaphore, #tpu.memory_space<semaphore_mem>>) src(%dma_wait3A_87 : memref<50x128xi32, #tpu.memory_space<hbm>>) dst(%arg5 : memref<50x128xi32, #tpu.memory_space<vmem>>)
      tpu.yield
    }) : () -> ()
    %dma_start3A = arith.constant 0 : i32
    %dma_start3A_3 = arith.constant 0 : i32
    %dma_start3A_4 = arith.constant 0 : i32
    %dma_start3A_5 = arith.constant 0 : i32
    %dma_start3A_6 = tpu.memref_slice %arg6[%dma_start3A_3, %dma_start3A_4, %dma_start3A_5] : memref<5x128x128xf32, #tpu.memory_space<vmem>> -> memref<1x128x128xf32, #tpu.memory_space<vmem>>
    %dma_start3A_7 = tpu.memref_squeeze %dma_start3A_6 : memref<1x128x128xf32, #tpu.memory_space<vmem>> -> memref<128x128xf32, #tpu.memory_space<vmem>>
    %dma_start3A_8 = arith.constant 0 : i32
    %dma_start3A_9 = tpu.memref_slice %arg5[%dma_start3A, %dma_start3A_8] : memref<50x128xi32, #tpu.memory_space<vmem>> -> memref<1x128xi32, #tpu.memory_space<vmem>>
    %dma_start3A_10 = tpu.memref_squeeze %dma_start3A_9 : memref<1x128xi32, #tpu.memory_space<vmem>> -> memref<128xi32, #tpu.memory_space<vmem>>
    %dma_start3A_11 = arith.constant 0 : i32
    %dma_start3A_12 = arith.constant 0 : i32
    %dma_start3A_13 = tpu.memref_slice %arg3[%dma_start3A_11, %dma_start3A_12] : memref<100000x128xf32, #tpu.memory_space<hbm>> -> memref<100000x128xf32, #tpu.memory_space<hbm>>
    tpu.enqueue_indirect_dma source(%dma_start3A_13 : memref<100000x128xf32, #tpu.memory_space<hbm>>) target(%dma_start3A_7 : memref<128x128xf32, #tpu.memory_space<vmem>>) offsets(%dma_start3A_10 : memref<128xi32, #tpu.memory_space<vmem>>) semaphore(%arg7 : memref<!tpu.dma_semaphore, #tpu.memory_space<semaphore_mem>>)
    %dma_start3A_14 = arith.constant 1 : i32
    %dma_start3A_15 = arith.constant 1 : i32
    %dma_start3A_16 = arith.constant 0 : i32
    %dma_start3A_17 = arith.constant 0 : i32
    %dma_start3A_18 = tpu.memref_slice %arg6[%dma_start3A_15, %dma_start3A_16, %dma_start3A_17] : memref<5x128x128xf32, #tpu.memory_space<vmem>> -> memref<1x128x128xf32, #tpu.memory_space<vmem>>
    %dma_start3A_19 = tpu.memref_squeeze %dma_start3A_18 : memref<1x128x128xf32, #tpu.memory_space<vmem>> -> memref<128x128xf32, #tpu.memory_space<vmem>>
    %dma_start3A_20 = arith.constant 0 : i32
    %dma_start3A_21 = tpu.memref_slice %arg5[%dma_start3A_14, %dma_start3A_20] : memref<50x128xi32, #tpu.memory_space<vmem>> -> memref<1x128xi32, #tpu.memory_space<vmem>>
    %dma_start3A_22 = tpu.memref_squeeze %dma_start3A_21 : memref<1x128xi32, #tpu.memory_space<vmem>> -> memref<128xi32, #tpu.memory_space<vmem>>
    %dma_start3A_23 = arith.constant 0 : i32
    %dma_start3A_24 = arith.constant 0 : i32
    %dma_start3A_25 = tpu.memref_slice %arg3[%dma_start3A_23, %dma_start3A_24] : memref<100000x128xf32, #tpu.memory_space<hbm>> -> memref<100000x128xf32, #tpu.memory_space<hbm>>
    tpu.enqueue_indirect_dma source(%dma_start3A_25 : memref<100000x128xf32, #tpu.memory_space<hbm>>) target(%dma_start3A_19 : memref<128x128xf32, #tpu.memory_space<vmem>>) offsets(%dma_start3A_22 : memref<128xi32, #tpu.memory_space<vmem>>) semaphore(%arg8 : memref<!tpu.dma_semaphore, #tpu.memory_space<semaphore_mem>>)
    %dma_start3A_26 = arith.constant 2 : i32
    %dma_start3A_27 = arith.constant 2 : i32
    %dma_start3A_28 = arith.constant 0 : i32
    %dma_start3A_29 = arith.constant 0 : i32
    %dma_start3A_30 = tpu.memref_slice %arg6[%dma_start3A_27, %dma_start3A_28, %dma_start3A_29] : memref<5x128x128xf32, #tpu.memory_space<vmem>> -> memref<1x128x128xf32, #tpu.memory_space<vmem>>
    %dma_start3A_31 = tpu.memref_squeeze %dma_start3A_30 : memref<1x128x128xf32, #tpu.memory_space<vmem>> -> memref<128x128xf32, #tpu.memory_space<vmem>>
    %dma_start3A_32 = arith.constant 0 : i32
    %dma_start3A_33 = tpu.memref_slice %arg5[%dma_start3A_26, %dma_start3A_32] : memref<50x128xi32, #tpu.memory_space<vmem>> -> memref<1x128xi32, #tpu.memory_space<vmem>>
    %dma_start3A_34 = tpu.memref_squeeze %dma_start3A_33 : memref<1x128xi32, #tpu.memory_space<vmem>> -> memref<128xi32, #tpu.memory_space<vmem>>
    %dma_start3A_35 = arith.constant 0 : i32
    %dma_start3A_36 = arith.constant 0 : i32
    %dma_start3A_37 = tpu.memref_slice %arg3[%dma_start3A_35, %dma_start3A_36] : memref<100000x128xf32, #tpu.memory_space<hbm>> -> memref<100000x128xf32, #tpu.memory_space<hbm>>
    tpu.enqueue_indirect_dma source(%dma_start3A_37 : memref<100000x128xf32, #tpu.memory_space<hbm>>) target(%dma_start3A_31 : memref<128x128xf32, #tpu.memory_space<vmem>>) offsets(%dma_start3A_34 : memref<128xi32, #tpu.memory_space<vmem>>) semaphore(%arg9 : memref<!tpu.dma_semaphore, #tpu.memory_space<semaphore_mem>>)
    %dma_start3A_38 = arith.constant 3 : i32
    %dma_start3A_39 = arith.constant 3 : i32
    %dma_start3A_40 = arith.constant 0 : i32
    %dma_start3A_41 = arith.constant 0 : i32
    %dma_start3A_42 = tpu.memref_slice %arg6[%dma_start3A_39, %dma_start3A_40, %dma_start3A_41] : memref<5x128x128xf32, #tpu.memory_space<vmem>> -> memref<1x128x128xf32, #tpu.memory_space<vmem>>
    %dma_start3A_43 = tpu.memref_squeeze %dma_start3A_42 : memref<1x128x128xf32, #tpu.memory_space<vmem>> -> memref<128x128xf32, #tpu.memory_space<vmem>>
    %dma_start3A_44 = arith.constant 0 : i32
    %dma_start3A_45 = tpu.memref_slice %arg5[%dma_start3A_38, %dma_start3A_44] : memref<50x128xi32, #tpu.memory_space<vmem>> -> memref<1x128xi32, #tpu.memory_space<vmem>>
    %dma_start3A_46 = tpu.memref_squeeze %dma_start3A_45 : memref<1x128xi32, #tpu.memory_space<vmem>> -> memref<128xi32, #tpu.memory_space<vmem>>
    %dma_start3A_47 = arith.constant 0 : i32
    %dma_start3A_48 = arith.constant 0 : i32
    %dma_start3A_49 = tpu.memref_slice %arg3[%dma_start3A_47, %dma_start3A_48] : memref<100000x128xf32, #tpu.memory_space<hbm>> -> memref<100000x128xf32, #tpu.memory_space<hbm>>
    tpu.enqueue_indirect_dma source(%dma_start3A_49 : memref<100000x128xf32, #tpu.memory_space<hbm>>) target(%dma_start3A_43 : memref<128x128xf32, #tpu.memory_space<vmem>>) offsets(%dma_start3A_46 : memref<128xi32, #tpu.memory_space<vmem>>) semaphore(%arg10 : memref<!tpu.dma_semaphore, #tpu.memory_space<semaphore_mem>>)
    %dma_start3A_50 = arith.constant 4 : i32
    %dma_start3A_51 = arith.constant 4 : i32
    %dma_start3A_52 = arith.constant 0 : i32
    %dma_start3A_53 = arith.constant 0 : i32
    %dma_start3A_54 = tpu.memref_slice %arg6[%dma_start3A_51, %dma_start3A_52, %dma_start3A_53] : memref<5x128x128xf32, #tpu.memory_space<vmem>> -> memref<1x128x128xf32, #tpu.memory_space<vmem>>
    %dma_start3A_55 = tpu.memref_squeeze %dma_start3A_54 : memref<1x128x128xf32, #tpu.memory_space<vmem>> -> memref<128x128xf32, #tpu.memory_space<vmem>>
    %dma_start3A_56 = arith.constant 0 : i32
    %dma_start3A_57 = tpu.memref_slice %arg5[%dma_start3A_50, %dma_start3A_56] : memref<50x128xi32, #tpu.memory_space<vmem>> -> memref<1x128xi32, #tpu.memory_space<vmem>>
    %dma_start3A_58 = tpu.memref_squeeze %dma_start3A_57 : memref<1x128xi32, #tpu.memory_space<vmem>> -> memref<128xi32, #tpu.memory_space<vmem>>
    %dma_start3A_59 = arith.constant 0 : i32
    %dma_start3A_60 = arith.constant 0 : i32
    %dma_start3A_61 = tpu.memref_slice %arg3[%dma_start3A_59, %dma_start3A_60] : memref<100000x128xf32, #tpu.memory_space<hbm>> -> memref<100000x128xf32, #tpu.memory_space<hbm>>
    tpu.enqueue_indirect_dma source(%dma_start3A_61 : memref<100000x128xf32, #tpu.memory_space<hbm>>) target(%dma_start3A_55 : memref<128x128xf32, #tpu.memory_space<vmem>>) offsets(%dma_start3A_58 : memref<128xi32, #tpu.memory_space<vmem>>) semaphore(%arg11 : memref<!tpu.dma_semaphore, #tpu.memory_space<semaphore_mem>>)
    %scan3A = arith.constant 0 : i32
    %scan3A_62 = arith.constant 10 : i32
    %scan3A_63 = arith.addi %scan3A, %scan3A_62 : i32
    %scan3A_64 = arith.constant 1 : i32
    scf.for %scan3A_80 = %scan3A to %scan3A_63 step %scan3A_64  : i32 {
      %mul3A_81 = arith.constant 5 : i32
      %mul3A_82 = arith.muli %scan3A_80, %mul3A_81 : i32
      %add3A_83 = arith.constant 0 : i32
      %add3A_84 = arith.addi %add3A_83, %mul3A_82 : i32
      %add3A_85 = arith.constant 0 : i32
      %add3A_86 = arith.addi %add3A_84, %add3A_85 : i32
      %dma_wait3A_87 = arith.constant 0 : i32
      %dma_wait3A_88 = arith.constant 0 : i32
      %dma_wait3A_89 = arith.constant 0 : i32
      %dma_wait3A_90 = tpu.memref_slice %arg6[%dma_wait3A_87, %dma_wait3A_88, %dma_wait3A_89] : memref<5x128x128xf32, #tpu.memory_space<vmem>> -> memref<1x128x128xf32, #tpu.memory_space<vmem>>
      %dma_wait3A_91 = tpu.memref_squeeze %dma_wait3A_90 : memref<1x128x128xf32, #tpu.memory_space<vmem>> -> memref<128x128xf32, #tpu.memory_space<vmem>>
      %dma_wait3A_92 = arith.constant 0 : i32
      %dma_wait3A_93 = tpu.memref_slice %arg5[%add3A_86, %dma_wait3A_92] : memref<50x128xi32, #tpu.memory_space<vmem>> -> memref<1x128xi32, #tpu.memory_space<vmem>>
      %dma_wait3A_94 = tpu.memref_squeeze %dma_wait3A_93 : memref<1x128xi32, #tpu.memory_space<vmem>> -> memref<128xi32, #tpu.memory_space<vmem>>
      %dma_wait3A_95 = arith.constant 0 : i32
      %dma_wait3A_96 = arith.constant 0 : i32
      %dma_wait3A_97 = tpu.memref_slice %arg3[%dma_wait3A_95, %dma_wait3A_96] : memref<100000x128xf32, #tpu.memory_space<hbm>> -> memref<100000x128xf32, #tpu.memory_space<hbm>>
      tpu.wait_indirect_dma semaphore(%arg7 : memref<!tpu.dma_semaphore, #tpu.memory_space<semaphore_mem>>) src(%dma_wait3A_97 : memref<100000x128xf32, #tpu.memory_space<hbm>>) dst(%dma_wait3A_91 : memref<128x128xf32, #tpu.memory_space<vmem>>)
      %mul3A_98 = arith.constant 4096 : i32
      %mul3A_99 = arith.muli %add3A_86, %mul3A_98 : i32
      %add3A_100 = arith.addi %mul3A_99, %mul3A_2 : i32
      %dma_start3A_101 = arith.constant 0 : i32
      %dma_start3A_102 = arith.constant 0 : i32
      %dma_start3A_103 = arith.constant 0 : i32
      %dma_start3A_104 = tpu.memref_slice %arg6[%dma_start3A_101, %dma_start3A_102, %dma_start3A_103] : memref<5x128x128xf32, #tpu.memory_space<vmem>> -> memref<1x128x128xf32, #tpu.memory_space<vmem>>
      %dma_start3A_105 = tpu.memref_squeeze %dma_start3A_104 : memref<1x128x128xf32, #tpu.memory_space<vmem>> -> memref<128x128xf32, #tpu.memory_space<vmem>>
      %dma_start3A_106 = arith.constant 0 : i32
      %dma_start3A_107 = tpu.memref_slice %arg4[%add3A_100, %dma_start3A_106] : memref<204800x128xf32, #tpu.memory_space<hbm>> -> memref<128x128xf32, #tpu.memory_space<hbm>>
      %dma_start3A_108 = arith.constant 0 : i32
      %dma_start3A_109 = tpu.memref_slice %arg4[%add3A_100, %dma_start3A_108] : memref<204800x128xf32, #tpu.memory_space<hbm>> -> memref<128x128xf32, #tpu.memory_space<hbm>>
      %dma_start3A_110 = arith.constant 0 : i32
      %dma_start3A_111 = arith.constant 0 : i32
      %dma_start3A_112 = tpu.memref_slice %arg6[%dma_start3A_101, %dma_start3A_110, %dma_start3A_111] : memref<5x128x128xf32, #tpu.memory_space<vmem>> -> memref<1x128x128xf32, #tpu.memory_space<vmem>>
      %dma_start3A_113 = tpu.memref_squeeze %dma_start3A_112 : memref<1x128x128xf32, #tpu.memory_space<vmem>> -> memref<128x128xf32, #tpu.memory_space<vmem>>
      tpu.enqueue_dma source(%dma_start3A_113 : memref<128x128xf32, #tpu.memory_space<vmem>>) target(%dma_start3A_109 : memref<128x128xf32, #tpu.memory_space<hbm>>) target_semaphore(%arg12 : memref<!tpu.dma_semaphore, #tpu.memory_space<semaphore_mem>>)
      %gt3A = arith.constant 0 : i32
      %gt3A_114 = arith.cmpi sgt, %add3A_86, %gt3A : i32
      %convert_element_type3A = arith.extui %gt3A_114 : i1 to i32
      %cond3A = arith.constant 0 : i32
      %cond3A_115 = arith.cmpi ne, %convert_element_type3A, %cond3A : i32
      scf.if %cond3A_115 {
        %sub3A_309 = arith.constant 1 : i32
        %sub3A_310 = arith.subi %add3A_86, %sub3A_309 : i32
        %mul3A_311 = arith.constant 4096 : i32
        %mul3A_312 = arith.muli %sub3A_310, %mul3A_311 : i32
        %add3A_313 = arith.addi %mul3A_312, %mul3A_2 : i32
        %dma_wait3A_314 = arith.constant 4 : i32
        %dma_wait3A_315 = arith.constant 0 : i32
        %dma_wait3A_316 = arith.constant 0 : i32
        %dma_wait3A_317 = tpu.memref_slice %arg6[%dma_wait3A_314, %dma_wait3A_315, %dma_wait3A_316] : memref<5x128x128xf32, #tpu.memory_space<vmem>> -> memref<1x128x128xf32, #tpu.memory_space<vmem>>
        %dma_wait3A_318 = tpu.memref_squeeze %dma_wait3A_317 : memref<1x128x128xf32, #tpu.memory_space<vmem>> -> memref<128x128xf32, #tpu.memory_space<vmem>>
        %dma_wait3A_319 = arith.constant 0 : i32
        %dma_wait3A_320 = tpu.memref_slice %arg4[%add3A_313, %dma_wait3A_319] : memref<204800x128xf32, #tpu.memory_space<hbm>> -> memref<128x128xf32, #tpu.memory_space<hbm>>
        %dma_wait3A_321 = arith.constant 0 : i32
        %dma_wait3A_322 = tpu.memref_slice %arg4[%add3A_313, %dma_wait3A_321] : memref<204800x128xf32, #tpu.memory_space<hbm>> -> memref<128x128xf32, #tpu.memory_space<hbm>>
        %dma_wait3A_323 = arith.constant 0 : i32
        %dma_wait3A_324 = arith.constant 0 : i32
        %dma_wait3A_325 = tpu.memref_slice %arg6[%dma_wait3A_314, %dma_wait3A_323, %dma_wait3A_324] : memref<5x128x128xf32, #tpu.memory_space<vmem>> -> memref<1x128x128xf32, #tpu.memory_space<vmem>>
        %dma_wait3A_326 = tpu.memref_squeeze %dma_wait3A_325 : memref<1x128x128xf32, #tpu.memory_space<vmem>> -> memref<128x128xf32, #tpu.memory_space<vmem>>
        tpu.wait_dma2 semaphore(%arg16 : memref<!tpu.dma_semaphore, #tpu.memory_space<semaphore_mem>>) src(%dma_wait3A_326 : memref<128x128xf32, #tpu.memory_space<vmem>>) dst(%dma_wait3A_322 : memref<128x128xf32, #tpu.memory_space<hbm>>)
      } else {
      }
      %sub3A = arith.constant 1 : i32
      %sub3A_116 = arith.subi %add3A_86, %sub3A : i32
      %add3A_117 = arith.constant 5 : i32
      %add3A_118 = arith.addi %sub3A_116, %add3A_117 : i32
      %gt3A_119 = arith.constant 0 : i32
      %gt3A_120 = arith.cmpi sgt, %add3A_86, %gt3A_119 : i32
      %lt3A = arith.constant 50 : i32
      %lt3A_121 = arith.cmpi slt, %add3A_118, %lt3A : i32
      %and3A = arith.andi %gt3A_120, %lt3A_121 : i1
      %convert_element_type3A_122 = arith.extui %and3A : i1 to i32
      %cond3A_123 = arith.constant 0 : i32
      %cond3A_124 = arith.cmpi ne, %convert_element_type3A_122, %cond3A_123 : i32
      scf.if %cond3A_124 {
        %dma_start3A_309 = arith.constant 4 : i32
        %dma_start3A_310 = arith.constant 0 : i32
        %dma_start3A_311 = arith.constant 0 : i32
        %dma_start3A_312 = tpu.memref_slice %arg6[%dma_start3A_309, %dma_start3A_310, %dma_start3A_311] : memref<5x128x128xf32, #tpu.memory_space<vmem>> -> memref<1x128x128xf32, #tpu.memory_space<vmem>>
        %dma_start3A_313 = tpu.memref_squeeze %dma_start3A_312 : memref<1x128x128xf32, #tpu.memory_space<vmem>> -> memref<128x128xf32, #tpu.memory_space<vmem>>
        %dma_start3A_314 = arith.constant 0 : i32
        %dma_start3A_315 = tpu.memref_slice %arg5[%add3A_118, %dma_start3A_314] : memref<50x128xi32, #tpu.memory_space<vmem>> -> memref<1x128xi32, #tpu.memory_space<vmem>>
        %dma_start3A_316 = tpu.memref_squeeze %dma_start3A_315 : memref<1x128xi32, #tpu.memory_space<vmem>> -> memref<128xi32, #tpu.memory_space<vmem>>
        %dma_start3A_317 = arith.constant 0 : i32
        %dma_start3A_318 = arith.constant 0 : i32
        %dma_start3A_319 = tpu.memref_slice %arg3[%dma_start3A_317, %dma_start3A_318] : memref<100000x128xf32, #tpu.memory_space<hbm>> -> memref<100000x128xf32, #tpu.memory_space<hbm>>
        tpu.enqueue_indirect_dma source(%dma_start3A_319 : memref<100000x128xf32, #tpu.memory_space<hbm>>) target(%dma_start3A_313 : memref<128x128xf32, #tpu.memory_space<vmem>>) offsets(%dma_start3A_316 : memref<128xi32, #tpu.memory_space<vmem>>) semaphore(%arg11 : memref<!tpu.dma_semaphore, #tpu.memory_space<semaphore_mem>>)
      } else {
      }
      %add3A_125 = arith.constant 1 : i32
      %add3A_126 = arith.addi %add3A_84, %add3A_125 : i32
      %dma_wait3A_127 = arith.constant 1 : i32
      %dma_wait3A_128 = arith.constant 0 : i32
      %dma_wait3A_129 = arith.constant 0 : i32
      %dma_wait3A_130 = tpu.memref_slice %arg6[%dma_wait3A_127, %dma_wait3A_128, %dma_wait3A_129] : memref<5x128x128xf32, #tpu.memory_space<vmem>> -> memref<1x128x128xf32, #tpu.memory_space<vmem>>
      %dma_wait3A_131 = tpu.memref_squeeze %dma_wait3A_130 : memref<1x128x128xf32, #tpu.memory_space<vmem>> -> memref<128x128xf32, #tpu.memory_space<vmem>>
      %dma_wait3A_132 = arith.constant 0 : i32
      %dma_wait3A_133 = tpu.memref_slice %arg5[%add3A_126, %dma_wait3A_132] : memref<50x128xi32, #tpu.memory_space<vmem>> -> memref<1x128xi32, #tpu.memory_space<vmem>>
      %dma_wait3A_134 = tpu.memref_squeeze %dma_wait3A_133 : memref<1x128xi32, #tpu.memory_space<vmem>> -> memref<128xi32, #tpu.memory_space<vmem>>
      %dma_wait3A_135 = arith.constant 0 : i32
      %dma_wait3A_136 = arith.constant 0 : i32
      %dma_wait3A_137 = tpu.memref_slice %arg3[%dma_wait3A_135, %dma_wait3A_136] : memref<100000x128xf32, #tpu.memory_space<hbm>> -> memref<100000x128xf32, #tpu.memory_space<hbm>>
      tpu.wait_indirect_dma semaphore(%arg8 : memref<!tpu.dma_semaphore, #tpu.memory_space<semaphore_mem>>) src(%dma_wait3A_137 : memref<100000x128xf32, #tpu.memory_space<hbm>>) dst(%dma_wait3A_131 : memref<128x128xf32, #tpu.memory_space<vmem>>)
      %mul3A_138 = arith.constant 4096 : i32
      %mul3A_139 = arith.muli %add3A_126, %mul3A_138 : i32
      %add3A_140 = arith.addi %mul3A_139, %mul3A_2 : i32
      %dma_start3A_141 = arith.constant 1 : i32
      %dma_start3A_142 = arith.constant 0 : i32
      %dma_start3A_143 = arith.constant 0 : i32
      %dma_start3A_144 = tpu.memref_slice %arg6[%dma_start3A_141, %dma_start3A_142, %dma_start3A_143] : memref<5x128x128xf32, #tpu.memory_space<vmem>> -> memref<1x128x128xf32, #tpu.memory_space<vmem>>
      %dma_start3A_145 = tpu.memref_squeeze %dma_start3A_144 : memref<1x128x128xf32, #tpu.memory_space<vmem>> -> memref<128x128xf32, #tpu.memory_space<vmem>>
      %dma_start3A_146 = arith.constant 0 : i32
      %dma_start3A_147 = tpu.memref_slice %arg4[%add3A_140, %dma_start3A_146] : memref<204800x128xf32, #tpu.memory_space<hbm>> -> memref<128x128xf32, #tpu.memory_space<hbm>>
      %dma_start3A_148 = arith.constant 0 : i32
      %dma_start3A_149 = tpu.memref_slice %arg4[%add3A_140, %dma_start3A_148] : memref<204800x128xf32, #tpu.memory_space<hbm>> -> memref<128x128xf32, #tpu.memory_space<hbm>>
      %dma_start3A_150 = arith.constant 0 : i32
      %dma_start3A_151 = arith.constant 0 : i32
      %dma_start3A_152 = tpu.memref_slice %arg6[%dma_start3A_141, %dma_start3A_150, %dma_start3A_151] : memref<5x128x128xf32, #tpu.memory_space<vmem>> -> memref<1x128x128xf32, #tpu.memory_space<vmem>>
      %dma_start3A_153 = tpu.memref_squeeze %dma_start3A_152 : memref<1x128x128xf32, #tpu.memory_space<vmem>> -> memref<128x128xf32, #tpu.memory_space<vmem>>
      tpu.enqueue_dma source(%dma_start3A_153 : memref<128x128xf32, #tpu.memory_space<vmem>>) target(%dma_start3A_149 : memref<128x128xf32, #tpu.memory_space<hbm>>) target_semaphore(%arg13 : memref<!tpu.dma_semaphore, #tpu.memory_space<semaphore_mem>>)
      %gt3A_154 = arith.constant 0 : i32
      %gt3A_155 = arith.cmpi sgt, %add3A_126, %gt3A_154 : i32
      %convert_element_type3A_156 = arith.extui %gt3A_155 : i1 to i32
      %cond3A_157 = arith.constant 0 : i32
      %cond3A_158 = arith.cmpi ne, %convert_element_type3A_156, %cond3A_157 : i32
      scf.if %cond3A_158 {
        %sub3A_309 = arith.constant 1 : i32
        %sub3A_310 = arith.subi %add3A_126, %sub3A_309 : i32
        %mul3A_311 = arith.constant 4096 : i32
        %mul3A_312 = arith.muli %sub3A_310, %mul3A_311 : i32
        %add3A_313 = arith.addi %mul3A_312, %mul3A_2 : i32
        %dma_wait3A_314 = arith.constant 0 : i32
        %dma_wait3A_315 = arith.constant 0 : i32
        %dma_wait3A_316 = arith.constant 0 : i32
        %dma_wait3A_317 = tpu.memref_slice %arg6[%dma_wait3A_314, %dma_wait3A_315, %dma_wait3A_316] : memref<5x128x128xf32, #tpu.memory_space<vmem>> -> memref<1x128x128xf32, #tpu.memory_space<vmem>>
        %dma_wait3A_318 = tpu.memref_squeeze %dma_wait3A_317 : memref<1x128x128xf32, #tpu.memory_space<vmem>> -> memref<128x128xf32, #tpu.memory_space<vmem>>
        %dma_wait3A_319 = arith.constant 0 : i32
        %dma_wait3A_320 = tpu.memref_slice %arg4[%add3A_313, %dma_wait3A_319] : memref<204800x128xf32, #tpu.memory_space<hbm>> -> memref<128x128xf32, #tpu.memory_space<hbm>>
        %dma_wait3A_321 = arith.constant 0 : i32
        %dma_wait3A_322 = tpu.memref_slice %arg4[%add3A_313, %dma_wait3A_321] : memref<204800x128xf32, #tpu.memory_space<hbm>> -> memref<128x128xf32, #tpu.memory_space<hbm>>
        %dma_wait3A_323 = arith.constant 0 : i32
        %dma_wait3A_324 = arith.constant 0 : i32
        %dma_wait3A_325 = tpu.memref_slice %arg6[%dma_wait3A_314, %dma_wait3A_323, %dma_wait3A_324] : memref<5x128x128xf32, #tpu.memory_space<vmem>> -> memref<1x128x128xf32, #tpu.memory_space<vmem>>
        %dma_wait3A_326 = tpu.memref_squeeze %dma_wait3A_325 : memref<1x128x128xf32, #tpu.memory_space<vmem>> -> memref<128x128xf32, #tpu.memory_space<vmem>>
        tpu.wait_dma2 semaphore(%arg12 : memref<!tpu.dma_semaphore, #tpu.memory_space<semaphore_mem>>) src(%dma_wait3A_326 : memref<128x128xf32, #tpu.memory_space<vmem>>) dst(%dma_wait3A_322 : memref<128x128xf32, #tpu.memory_space<hbm>>)
      } else {
      }
      %sub3A_159 = arith.constant 1 : i32
      %sub3A_160 = arith.subi %add3A_126, %sub3A_159 : i32
      %add3A_161 = arith.constant 5 : i32
      %add3A_162 = arith.addi %sub3A_160, %add3A_161 : i32
      %gt3A_163 = arith.constant 0 : i32
      %gt3A_164 = arith.cmpi sgt, %add3A_126, %gt3A_163 : i32
      %lt3A_165 = arith.constant 50 : i32
      %lt3A_166 = arith.cmpi slt, %add3A_162, %lt3A_165 : i32
      %and3A_167 = arith.andi %gt3A_164, %lt3A_166 : i1
      %convert_element_type3A_168 = arith.extui %and3A_167 : i1 to i32
      %cond3A_169 = arith.constant 0 : i32
      %cond3A_170 = arith.cmpi ne, %convert_element_type3A_168, %cond3A_169 : i32
      scf.if %cond3A_170 {
        %dma_start3A_309 = arith.constant 0 : i32
        %dma_start3A_310 = arith.constant 0 : i32
        %dma_start3A_311 = arith.constant 0 : i32
        %dma_start3A_312 = tpu.memref_slice %arg6[%dma_start3A_309, %dma_start3A_310, %dma_start3A_311] : memref<5x128x128xf32, #tpu.memory_space<vmem>> -> memref<1x128x128xf32, #tpu.memory_space<vmem>>
        %dma_start3A_313 = tpu.memref_squeeze %dma_start3A_312 : memref<1x128x128xf32, #tpu.memory_space<vmem>> -> memref<128x128xf32, #tpu.memory_space<vmem>>
        %dma_start3A_314 = arith.constant 0 : i32
        %dma_start3A_315 = tpu.memref_slice %arg5[%add3A_162, %dma_start3A_314] : memref<50x128xi32, #tpu.memory_space<vmem>> -> memref<1x128xi32, #tpu.memory_space<vmem>>
        %dma_start3A_316 = tpu.memref_squeeze %dma_start3A_315 : memref<1x128xi32, #tpu.memory_space<vmem>> -> memref<128xi32, #tpu.memory_space<vmem>>
        %dma_start3A_317 = arith.constant 0 : i32
        %dma_start3A_318 = arith.constant 0 : i32
        %dma_start3A_319 = tpu.memref_slice %arg3[%dma_start3A_317, %dma_start3A_318] : memref<100000x128xf32, #tpu.memory_space<hbm>> -> memref<100000x128xf32, #tpu.memory_space<hbm>>
        tpu.enqueue_indirect_dma source(%dma_start3A_319 : memref<100000x128xf32, #tpu.memory_space<hbm>>) target(%dma_start3A_313 : memref<128x128xf32, #tpu.memory_space<vmem>>) offsets(%dma_start3A_316 : memref<128xi32, #tpu.memory_space<vmem>>) semaphore(%arg7 : memref<!tpu.dma_semaphore, #tpu.memory_space<semaphore_mem>>)
      } else {
      }
      %add3A_171 = arith.constant 2 : i32
      %add3A_172 = arith.addi %add3A_84, %add3A_171 : i32
      %dma_wait3A_173 = arith.constant 2 : i32
      %dma_wait3A_174 = arith.constant 0 : i32
      %dma_wait3A_175 = arith.constant 0 : i32
      %dma_wait3A_176 = tpu.memref_slice %arg6[%dma_wait3A_173, %dma_wait3A_174, %dma_wait3A_175] : memref<5x128x128xf32, #tpu.memory_space<vmem>> -> memref<1x128x128xf32, #tpu.memory_space<vmem>>
      %dma_wait3A_177 = tpu.memref_squeeze %dma_wait3A_176 : memref<1x128x128xf32, #tpu.memory_space<vmem>> -> memref<128x128xf32, #tpu.memory_space<vmem>>
      %dma_wait3A_178 = arith.constant 0 : i32
      %dma_wait3A_179 = tpu.memref_slice %arg5[%add3A_172, %dma_wait3A_178] : memref<50x128xi32, #tpu.memory_space<vmem>> -> memref<1x128xi32, #tpu.memory_space<vmem>>
      %dma_wait3A_180 = tpu.memref_squeeze %dma_wait3A_179 : memref<1x128xi32, #tpu.memory_space<vmem>> -> memref<128xi32, #tpu.memory_space<vmem>>
      %dma_wait3A_181 = arith.constant 0 : i32
      %dma_wait3A_182 = arith.constant 0 : i32
      %dma_wait3A_183 = tpu.memref_slice %arg3[%dma_wait3A_181, %dma_wait3A_182] : memref<100000x128xf32, #tpu.memory_space<hbm>> -> memref<100000x128xf32, #tpu.memory_space<hbm>>
      tpu.wait_indirect_dma semaphore(%arg9 : memref<!tpu.dma_semaphore, #tpu.memory_space<semaphore_mem>>) src(%dma_wait3A_183 : memref<100000x128xf32, #tpu.memory_space<hbm>>) dst(%dma_wait3A_177 : memref<128x128xf32, #tpu.memory_space<vmem>>)
      %mul3A_184 = arith.constant 4096 : i32
      %mul3A_185 = arith.muli %add3A_172, %mul3A_184 : i32
      %add3A_186 = arith.addi %mul3A_185, %mul3A_2 : i32
      %dma_start3A_187 = arith.constant 2 : i32
      %dma_start3A_188 = arith.constant 0 : i32
      %dma_start3A_189 = arith.constant 0 : i32
      %dma_start3A_190 = tpu.memref_slice %arg6[%dma_start3A_187, %dma_start3A_188, %dma_start3A_189] : memref<5x128x128xf32, #tpu.memory_space<vmem>> -> memref<1x128x128xf32, #tpu.memory_space<vmem>>
      %dma_start3A_191 = tpu.memref_squeeze %dma_start3A_190 : memref<1x128x128xf32, #tpu.memory_space<vmem>> -> memref<128x128xf32, #tpu.memory_space<vmem>>
      %dma_start3A_192 = arith.constant 0 : i32
      %dma_start3A_193 = tpu.memref_slice %arg4[%add3A_186, %dma_start3A_192] : memref<204800x128xf32, #tpu.memory_space<hbm>> -> memref<128x128xf32, #tpu.memory_space<hbm>>
      %dma_start3A_194 = arith.constant 0 : i32
      %dma_start3A_195 = tpu.memref_slice %arg4[%add3A_186, %dma_start3A_194] : memref<204800x128xf32, #tpu.memory_space<hbm>> -> memref<128x128xf32, #tpu.memory_space<hbm>>
      %dma_start3A_196 = arith.constant 0 : i32
      %dma_start3A_197 = arith.constant 0 : i32
      %dma_start3A_198 = tpu.memref_slice %arg6[%dma_start3A_187, %dma_start3A_196, %dma_start3A_197] : memref<5x128x128xf32, #tpu.memory_space<vmem>> -> memref<1x128x128xf32, #tpu.memory_space<vmem>>
      %dma_start3A_199 = tpu.memref_squeeze %dma_start3A_198 : memref<1x128x128xf32, #tpu.memory_space<vmem>> -> memref<128x128xf32, #tpu.memory_space<vmem>>
      tpu.enqueue_dma source(%dma_start3A_199 : memref<128x128xf32, #tpu.memory_space<vmem>>) target(%dma_start3A_195 : memref<128x128xf32, #tpu.memory_space<hbm>>) target_semaphore(%arg14 : memref<!tpu.dma_semaphore, #tpu.memory_space<semaphore_mem>>)
      %gt3A_200 = arith.constant 0 : i32
      %gt3A_201 = arith.cmpi sgt, %add3A_172, %gt3A_200 : i32
      %convert_element_type3A_202 = arith.extui %gt3A_201 : i1 to i32
      %cond3A_203 = arith.constant 0 : i32
      %cond3A_204 = arith.cmpi ne, %convert_element_type3A_202, %cond3A_203 : i32
      scf.if %cond3A_204 {
        %sub3A_309 = arith.constant 1 : i32
        %sub3A_310 = arith.subi %add3A_172, %sub3A_309 : i32
        %mul3A_311 = arith.constant 4096 : i32
        %mul3A_312 = arith.muli %sub3A_310, %mul3A_311 : i32
        %add3A_313 = arith.addi %mul3A_312, %mul3A_2 : i32
        %dma_wait3A_314 = arith.constant 1 : i32
        %dma_wait3A_315 = arith.constant 0 : i32
        %dma_wait3A_316 = arith.constant 0 : i32
        %dma_wait3A_317 = tpu.memref_slice %arg6[%dma_wait3A_314, %dma_wait3A_315, %dma_wait3A_316] : memref<5x128x128xf32, #tpu.memory_space<vmem>> -> memref<1x128x128xf32, #tpu.memory_space<vmem>>
        %dma_wait3A_318 = tpu.memref_squeeze %dma_wait3A_317 : memref<1x128x128xf32, #tpu.memory_space<vmem>> -> memref<128x128xf32, #tpu.memory_space<vmem>>
        %dma_wait3A_319 = arith.constant 0 : i32
        %dma_wait3A_320 = tpu.memref_slice %arg4[%add3A_313, %dma_wait3A_319] : memref<204800x128xf32, #tpu.memory_space<hbm>> -> memref<128x128xf32, #tpu.memory_space<hbm>>
        %dma_wait3A_321 = arith.constant 0 : i32
        %dma_wait3A_322 = tpu.memref_slice %arg4[%add3A_313, %dma_wait3A_321] : memref<204800x128xf32, #tpu.memory_space<hbm>> -> memref<128x128xf32, #tpu.memory_space<hbm>>
        %dma_wait3A_323 = arith.constant 0 : i32
        %dma_wait3A_324 = arith.constant 0 : i32
        %dma_wait3A_325 = tpu.memref_slice %arg6[%dma_wait3A_314, %dma_wait3A_323, %dma_wait3A_324] : memref<5x128x128xf32, #tpu.memory_space<vmem>> -> memref<1x128x128xf32, #tpu.memory_space<vmem>>
        %dma_wait3A_326 = tpu.memref_squeeze %dma_wait3A_325 : memref<1x128x128xf32, #tpu.memory_space<vmem>> -> memref<128x128xf32, #tpu.memory_space<vmem>>
        tpu.wait_dma2 semaphore(%arg13 : memref<!tpu.dma_semaphore, #tpu.memory_space<semaphore_mem>>) src(%dma_wait3A_326 : memref<128x128xf32, #tpu.memory_space<vmem>>) dst(%dma_wait3A_322 : memref<128x128xf32, #tpu.memory_space<hbm>>)
      } else {
      }
      %sub3A_205 = arith.constant 1 : i32
      %sub3A_206 = arith.subi %add3A_172, %sub3A_205 : i32
      %add3A_207 = arith.constant 5 : i32
      %add3A_208 = arith.addi %sub3A_206, %add3A_207 : i32
      %gt3A_209 = arith.constant 0 : i32
      %gt3A_210 = arith.cmpi sgt, %add3A_172, %gt3A_209 : i32
      %lt3A_211 = arith.constant 50 : i32
      %lt3A_212 = arith.cmpi slt, %add3A_208, %lt3A_211 : i32
      %and3A_213 = arith.andi %gt3A_210, %lt3A_212 : i1
      %convert_element_type3A_214 = arith.extui %and3A_213 : i1 to i32
      %cond3A_215 = arith.constant 0 : i32
      %cond3A_216 = arith.cmpi ne, %convert_element_type3A_214, %cond3A_215 : i32
      scf.if %cond3A_216 {
        %dma_start3A_309 = arith.constant 1 : i32
        %dma_start3A_310 = arith.constant 0 : i32
        %dma_start3A_311 = arith.constant 0 : i32
        %dma_start3A_312 = tpu.memref_slice %arg6[%dma_start3A_309, %dma_start3A_310, %dma_start3A_311] : memref<5x128x128xf32, #tpu.memory_space<vmem>> -> memref<1x128x128xf32, #tpu.memory_space<vmem>>
        %dma_start3A_313 = tpu.memref_squeeze %dma_start3A_312 : memref<1x128x128xf32, #tpu.memory_space<vmem>> -> memref<128x128xf32, #tpu.memory_space<vmem>>
        %dma_start3A_314 = arith.constant 0 : i32
        %dma_start3A_315 = tpu.memref_slice %arg5[%add3A_208, %dma_start3A_314] : memref<50x128xi32, #tpu.memory_space<vmem>> -> memref<1x128xi32, #tpu.memory_space<vmem>>
        %dma_start3A_316 = tpu.memref_squeeze %dma_start3A_315 : memref<1x128xi32, #tpu.memory_space<vmem>> -> memref<128xi32, #tpu.memory_space<vmem>>
        %dma_start3A_317 = arith.constant 0 : i32
        %dma_start3A_318 = arith.constant 0 : i32
        %dma_start3A_319 = tpu.memref_slice %arg3[%dma_start3A_317, %dma_start3A_318] : memref<100000x128xf32, #tpu.memory_space<hbm>> -> memref<100000x128xf32, #tpu.memory_space<hbm>>
        tpu.enqueue_indirect_dma source(%dma_start3A_319 : memref<100000x128xf32, #tpu.memory_space<hbm>>) target(%dma_start3A_313 : memref<128x128xf32, #tpu.memory_space<vmem>>) offsets(%dma_start3A_316 : memref<128xi32, #tpu.memory_space<vmem>>) semaphore(%arg8 : memref<!tpu.dma_semaphore, #tpu.memory_space<semaphore_mem>>)
      } else {
      }
      %add3A_217 = arith.constant 3 : i32
      %add3A_218 = arith.addi %add3A_84, %add3A_217 : i32
      %dma_wait3A_219 = arith.constant 3 : i32
      %dma_wait3A_220 = arith.constant 0 : i32
      %dma_wait3A_221 = arith.constant 0 : i32
      %dma_wait3A_222 = tpu.memref_slice %arg6[%dma_wait3A_219, %dma_wait3A_220, %dma_wait3A_221] : memref<5x128x128xf32, #tpu.memory_space<vmem>> -> memref<1x128x128xf32, #tpu.memory_space<vmem>>
      %dma_wait3A_223 = tpu.memref_squeeze %dma_wait3A_222 : memref<1x128x128xf32, #tpu.memory_space<vmem>> -> memref<128x128xf32, #tpu.memory_space<vmem>>
      %dma_wait3A_224 = arith.constant 0 : i32
      %dma_wait3A_225 = tpu.memref_slice %arg5[%add3A_218, %dma_wait3A_224] : memref<50x128xi32, #tpu.memory_space<vmem>> -> memref<1x128xi32, #tpu.memory_space<vmem>>
      %dma_wait3A_226 = tpu.memref_squeeze %dma_wait3A_225 : memref<1x128xi32, #tpu.memory_space<vmem>> -> memref<128xi32, #tpu.memory_space<vmem>>
      %dma_wait3A_227 = arith.constant 0 : i32
      %dma_wait3A_228 = arith.constant 0 : i32
      %dma_wait3A_229 = tpu.memref_slice %arg3[%dma_wait3A_227, %dma_wait3A_228] : memref<100000x128xf32, #tpu.memory_space<hbm>> -> memref<100000x128xf32, #tpu.memory_space<hbm>>
      tpu.wait_indirect_dma semaphore(%arg10 : memref<!tpu.dma_semaphore, #tpu.memory_space<semaphore_mem>>) src(%dma_wait3A_229 : memref<100000x128xf32, #tpu.memory_space<hbm>>) dst(%dma_wait3A_223 : memref<128x128xf32, #tpu.memory_space<vmem>>)
      %mul3A_230 = arith.constant 4096 : i32
      %mul3A_231 = arith.muli %add3A_218, %mul3A_230 : i32
      %add3A_232 = arith.addi %mul3A_231, %mul3A_2 : i32
      %dma_start3A_233 = arith.constant 3 : i32
      %dma_start3A_234 = arith.constant 0 : i32
      %dma_start3A_235 = arith.constant 0 : i32
      %dma_start3A_236 = tpu.memref_slice %arg6[%dma_start3A_233, %dma_start3A_234, %dma_start3A_235] : memref<5x128x128xf32, #tpu.memory_space<vmem>> -> memref<1x128x128xf32, #tpu.memory_space<vmem>>
      %dma_start3A_237 = tpu.memref_squeeze %dma_start3A_236 : memref<1x128x128xf32, #tpu.memory_space<vmem>> -> memref<128x128xf32, #tpu.memory_space<vmem>>
      %dma_start3A_238 = arith.constant 0 : i32
      %dma_start3A_239 = tpu.memref_slice %arg4[%add3A_232, %dma_start3A_238] : memref<204800x128xf32, #tpu.memory_space<hbm>> -> memref<128x128xf32, #tpu.memory_space<hbm>>
      %dma_start3A_240 = arith.constant 0 : i32
      %dma_start3A_241 = tpu.memref_slice %arg4[%add3A_232, %dma_start3A_240] : memref<204800x128xf32, #tpu.memory_space<hbm>> -> memref<128x128xf32, #tpu.memory_space<hbm>>
      %dma_start3A_242 = arith.constant 0 : i32
      %dma_start3A_243 = arith.constant 0 : i32
      %dma_start3A_244 = tpu.memref_slice %arg6[%dma_start3A_233, %dma_start3A_242, %dma_start3A_243] : memref<5x128x128xf32, #tpu.memory_space<vmem>> -> memref<1x128x128xf32, #tpu.memory_space<vmem>>
      %dma_start3A_245 = tpu.memref_squeeze %dma_start3A_244 : memref<1x128x128xf32, #tpu.memory_space<vmem>> -> memref<128x128xf32, #tpu.memory_space<vmem>>
      tpu.enqueue_dma source(%dma_start3A_245 : memref<128x128xf32, #tpu.memory_space<vmem>>) target(%dma_start3A_241 : memref<128x128xf32, #tpu.memory_space<hbm>>) target_semaphore(%arg15 : memref<!tpu.dma_semaphore, #tpu.memory_space<semaphore_mem>>)
      %gt3A_246 = arith.constant 0 : i32
      %gt3A_247 = arith.cmpi sgt, %add3A_218, %gt3A_246 : i32
      %convert_element_type3A_248 = arith.extui %gt3A_247 : i1 to i32
      %cond3A_249 = arith.constant 0 : i32
      %cond3A_250 = arith.cmpi ne, %convert_element_type3A_248, %cond3A_249 : i32
      scf.if %cond3A_250 {
        %sub3A_309 = arith.constant 1 : i32
        %sub3A_310 = arith.subi %add3A_218, %sub3A_309 : i32
        %mul3A_311 = arith.constant 4096 : i32
        %mul3A_312 = arith.muli %sub3A_310, %mul3A_311 : i32
        %add3A_313 = arith.addi %mul3A_312, %mul3A_2 : i32
        %dma_wait3A_314 = arith.constant 2 : i32
        %dma_wait3A_315 = arith.constant 0 : i32
        %dma_wait3A_316 = arith.constant 0 : i32
        %dma_wait3A_317 = tpu.memref_slice %arg6[%dma_wait3A_314, %dma_wait3A_315, %dma_wait3A_316] : memref<5x128x128xf32, #tpu.memory_space<vmem>> -> memref<1x128x128xf32, #tpu.memory_space<vmem>>
        %dma_wait3A_318 = tpu.memref_squeeze %dma_wait3A_317 : memref<1x128x128xf32, #tpu.memory_space<vmem>> -> memref<128x128xf32, #tpu.memory_space<vmem>>
        %dma_wait3A_319 = arith.constant 0 : i32
        %dma_wait3A_320 = tpu.memref_slice %arg4[%add3A_313, %dma_wait3A_319] : memref<204800x128xf32, #tpu.memory_space<hbm>> -> memref<128x128xf32, #tpu.memory_space<hbm>>
        %dma_wait3A_321 = arith.constant 0 : i32
        %dma_wait3A_322 = tpu.memref_slice %arg4[%add3A_313, %dma_wait3A_321] : memref<204800x128xf32, #tpu.memory_space<hbm>> -> memref<128x128xf32, #tpu.memory_space<hbm>>
        %dma_wait3A_323 = arith.constant 0 : i32
        %dma_wait3A_324 = arith.constant 0 : i32
        %dma_wait3A_325 = tpu.memref_slice %arg6[%dma_wait3A_314, %dma_wait3A_323, %dma_wait3A_324] : memref<5x128x128xf32, #tpu.memory_space<vmem>> -> memref<1x128x128xf32, #tpu.memory_space<vmem>>
        %dma_wait3A_326 = tpu.memref_squeeze %dma_wait3A_325 : memref<1x128x128xf32, #tpu.memory_space<vmem>> -> memref<128x128xf32, #tpu.memory_space<vmem>>
        tpu.wait_dma2 semaphore(%arg14 : memref<!tpu.dma_semaphore, #tpu.memory_space<semaphore_mem>>) src(%dma_wait3A_326 : memref<128x128xf32, #tpu.memory_space<vmem>>) dst(%dma_wait3A_322 : memref<128x128xf32, #tpu.memory_space<hbm>>)
      } else {
      }
      %sub3A_251 = arith.constant 1 : i32
      %sub3A_252 = arith.subi %add3A_218, %sub3A_251 : i32
      %add3A_253 = arith.constant 5 : i32
      %add3A_254 = arith.addi %sub3A_252, %add3A_253 : i32
      %gt3A_255 = arith.constant 0 : i32
      %gt3A_256 = arith.cmpi sgt, %add3A_218, %gt3A_255 : i32
      %lt3A_257 = arith.constant 50 : i32
      %lt3A_258 = arith.cmpi slt, %add3A_254, %lt3A_257 : i32
      %and3A_259 = arith.andi %gt3A_256, %lt3A_258 : i1
      %convert_element_type3A_260 = arith.extui %and3A_259 : i1 to i32
      %cond3A_261 = arith.constant 0 : i32
      %cond3A_262 = arith.cmpi ne, %convert_element_type3A_260, %cond3A_261 : i32
      scf.if %cond3A_262 {
        %dma_start3A_309 = arith.constant 2 : i32
        %dma_start3A_310 = arith.constant 0 : i32
        %dma_start3A_311 = arith.constant 0 : i32
        %dma_start3A_312 = tpu.memref_slice %arg6[%dma_start3A_309, %dma_start3A_310, %dma_start3A_311] : memref<5x128x128xf32, #tpu.memory_space<vmem>> -> memref<1x128x128xf32, #tpu.memory_space<vmem>>
        %dma_start3A_313 = tpu.memref_squeeze %dma_start3A_312 : memref<1x128x128xf32, #tpu.memory_space<vmem>> -> memref<128x128xf32, #tpu.memory_space<vmem>>
        %dma_start3A_314 = arith.constant 0 : i32
        %dma_start3A_315 = tpu.memref_slice %arg5[%add3A_254, %dma_start3A_314] : memref<50x128xi32, #tpu.memory_space<vmem>> -> memref<1x128xi32, #tpu.memory_space<vmem>>
        %dma_start3A_316 = tpu.memref_squeeze %dma_start3A_315 : memref<1x128xi32, #tpu.memory_space<vmem>> -> memref<128xi32, #tpu.memory_space<vmem>>
        %dma_start3A_317 = arith.constant 0 : i32
        %dma_start3A_318 = arith.constant 0 : i32
        %dma_start3A_319 = tpu.memref_slice %arg3[%dma_start3A_317, %dma_start3A_318] : memref<100000x128xf32, #tpu.memory_space<hbm>> -> memref<100000x128xf32, #tpu.memory_space<hbm>>
        tpu.enqueue_indirect_dma source(%dma_start3A_319 : memref<100000x128xf32, #tpu.memory_space<hbm>>) target(%dma_start3A_313 : memref<128x128xf32, #tpu.memory_space<vmem>>) offsets(%dma_start3A_316 : memref<128xi32, #tpu.memory_space<vmem>>) semaphore(%arg9 : memref<!tpu.dma_semaphore, #tpu.memory_space<semaphore_mem>>)
      } else {
      }
      %add3A_263 = arith.constant 4 : i32
      %add3A_264 = arith.addi %add3A_84, %add3A_263 : i32
      %dma_wait3A_265 = arith.constant 4 : i32
      %dma_wait3A_266 = arith.constant 0 : i32
      %dma_wait3A_267 = arith.constant 0 : i32
      %dma_wait3A_268 = tpu.memref_slice %arg6[%dma_wait3A_265, %dma_wait3A_266, %dma_wait3A_267] : memref<5x128x128xf32, #tpu.memory_space<vmem>> -> memref<1x128x128xf32, #tpu.memory_space<vmem>>
      %dma_wait3A_269 = tpu.memref_squeeze %dma_wait3A_268 : memref<1x128x128xf32, #tpu.memory_space<vmem>> -> memref<128x128xf32, #tpu.memory_space<vmem>>
      %dma_wait3A_270 = arith.constant 0 : i32
      %dma_wait3A_271 = tpu.memref_slice %arg5[%add3A_264, %dma_wait3A_270] : memref<50x128xi32, #tpu.memory_space<vmem>> -> memref<1x128xi32, #tpu.memory_space<vmem>>
      %dma_wait3A_272 = tpu.memref_squeeze %dma_wait3A_271 : memref<1x128xi32, #tpu.memory_space<vmem>> -> memref<128xi32, #tpu.memory_space<vmem>>
      %dma_wait3A_273 = arith.constant 0 : i32
      %dma_wait3A_274 = arith.constant 0 : i32
      %dma_wait3A_275 = tpu.memref_slice %arg3[%dma_wait3A_273, %dma_wait3A_274] : memref<100000x128xf32, #tpu.memory_space<hbm>> -> memref<100000x128xf32, #tpu.memory_space<hbm>>
      tpu.wait_indirect_dma semaphore(%arg11 : memref<!tpu.dma_semaphore, #tpu.memory_space<semaphore_mem>>) src(%dma_wait3A_275 : memref<100000x128xf32, #tpu.memory_space<hbm>>) dst(%dma_wait3A_269 : memref<128x128xf32, #tpu.memory_space<vmem>>)
      %mul3A_276 = arith.constant 4096 : i32
      %mul3A_277 = arith.muli %add3A_264, %mul3A_276 : i32
      %add3A_278 = arith.addi %mul3A_277, %mul3A_2 : i32
      %dma_start3A_279 = arith.constant 4 : i32
      %dma_start3A_280 = arith.constant 0 : i32
      %dma_start3A_281 = arith.constant 0 : i32
      %dma_start3A_282 = tpu.memref_slice %arg6[%dma_start3A_279, %dma_start3A_280, %dma_start3A_281] : memref<5x128x128xf32, #tpu.memory_space<vmem>> -> memref<1x128x128xf32, #tpu.memory_space<vmem>>
      %dma_start3A_283 = tpu.memref_squeeze %dma_start3A_282 : memref<1x128x128xf32, #tpu.memory_space<vmem>> -> memref<128x128xf32, #tpu.memory_space<vmem>>
      %dma_start3A_284 = arith.constant 0 : i32
      %dma_start3A_285 = tpu.memref_slice %arg4[%add3A_278, %dma_start3A_284] : memref<204800x128xf32, #tpu.memory_space<hbm>> -> memref<128x128xf32, #tpu.memory_space<hbm>>
      %dma_start3A_286 = arith.constant 0 : i32
      %dma_start3A_287 = tpu.memref_slice %arg4[%add3A_278, %dma_start3A_286] : memref<204800x128xf32, #tpu.memory_space<hbm>> -> memref<128x128xf32, #tpu.memory_space<hbm>>
      %dma_start3A_288 = arith.constant 0 : i32
      %dma_start3A_289 = arith.constant 0 : i32
      %dma_start3A_290 = tpu.memref_slice %arg6[%dma_start3A_279, %dma_start3A_288, %dma_start3A_289] : memref<5x128x128xf32, #tpu.memory_space<vmem>> -> memref<1x128x128xf32, #tpu.memory_space<vmem>>
      %dma_start3A_291 = tpu.memref_squeeze %dma_start3A_290 : memref<1x128x128xf32, #tpu.memory_space<vmem>> -> memref<128x128xf32, #tpu.memory_space<vmem>>
      tpu.enqueue_dma source(%dma_start3A_291 : memref<128x128xf32, #tpu.memory_space<vmem>>) target(%dma_start3A_287 : memref<128x128xf32, #tpu.memory_space<hbm>>) target_semaphore(%arg16 : memref<!tpu.dma_semaphore, #tpu.memory_space<semaphore_mem>>)
      %gt3A_292 = arith.constant 0 : i32
      %gt3A_293 = arith.cmpi sgt, %add3A_264, %gt3A_292 : i32
      %convert_element_type3A_294 = arith.extui %gt3A_293 : i1 to i32
      %cond3A_295 = arith.constant 0 : i32
      %cond3A_296 = arith.cmpi ne, %convert_element_type3A_294, %cond3A_295 : i32
      scf.if %cond3A_296 {
        %sub3A_309 = arith.constant 1 : i32
        %sub3A_310 = arith.subi %add3A_264, %sub3A_309 : i32
        %mul3A_311 = arith.constant 4096 : i32
        %mul3A_312 = arith.muli %sub3A_310, %mul3A_311 : i32
        %add3A_313 = arith.addi %mul3A_312, %mul3A_2 : i32
        %dma_wait3A_314 = arith.constant 3 : i32
        %dma_wait3A_315 = arith.constant 0 : i32
        %dma_wait3A_316 = arith.constant 0 : i32
        %dma_wait3A_317 = tpu.memref_slice %arg6[%dma_wait3A_314, %dma_wait3A_315, %dma_wait3A_316] : memref<5x128x128xf32, #tpu.memory_space<vmem>> -> memref<1x128x128xf32, #tpu.memory_space<vmem>>
        %dma_wait3A_318 = tpu.memref_squeeze %dma_wait3A_317 : memref<1x128x128xf32, #tpu.memory_space<vmem>> -> memref<128x128xf32, #tpu.memory_space<vmem>>
        %dma_wait3A_319 = arith.constant 0 : i32
        %dma_wait3A_320 = tpu.memref_slice %arg4[%add3A_313, %dma_wait3A_319] : memref<204800x128xf32, #tpu.memory_space<hbm>> -> memref<128x128xf32, #tpu.memory_space<hbm>>
        %dma_wait3A_321 = arith.constant 0 : i32
        %dma_wait3A_322 = tpu.memref_slice %arg4[%add3A_313, %dma_wait3A_321] : memref<204800x128xf32, #tpu.memory_space<hbm>> -> memref<128x128xf32, #tpu.memory_space<hbm>>
        %dma_wait3A_323 = arith.constant 0 : i32
        %dma_wait3A_324 = arith.constant 0 : i32
        %dma_wait3A_325 = tpu.memref_slice %arg6[%dma_wait3A_314, %dma_wait3A_323, %dma_wait3A_324] : memref<5x128x128xf32, #tpu.memory_space<vmem>> -> memref<1x128x128xf32, #tpu.memory_space<vmem>>
        %dma_wait3A_326 = tpu.memref_squeeze %dma_wait3A_325 : memref<1x128x128xf32, #tpu.memory_space<vmem>> -> memref<128x128xf32, #tpu.memory_space<vmem>>
        tpu.wait_dma2 semaphore(%arg15 : memref<!tpu.dma_semaphore, #tpu.memory_space<semaphore_mem>>) src(%dma_wait3A_326 : memref<128x128xf32, #tpu.memory_space<vmem>>) dst(%dma_wait3A_322 : memref<128x128xf32, #tpu.memory_space<hbm>>)
      } else {
      }
      %sub3A_297 = arith.constant 1 : i32
      %sub3A_298 = arith.subi %add3A_264, %sub3A_297 : i32
      %add3A_299 = arith.constant 5 : i32
      %add3A_300 = arith.addi %sub3A_298, %add3A_299 : i32
      %gt3A_301 = arith.constant 0 : i32
      %gt3A_302 = arith.cmpi sgt, %add3A_264, %gt3A_301 : i32
      %lt3A_303 = arith.constant 50 : i32
      %lt3A_304 = arith.cmpi slt, %add3A_300, %lt3A_303 : i32
      %and3A_305 = arith.andi %gt3A_302, %lt3A_304 : i1
      %convert_element_type3A_306 = arith.extui %and3A_305 : i1 to i32
      %cond3A_307 = arith.constant 0 : i32
      %cond3A_308 = arith.cmpi ne, %convert_element_type3A_306, %cond3A_307 : i32
      scf.if %cond3A_308 {
        %dma_start3A_309 = arith.constant 3 : i32
        %dma_start3A_310 = arith.constant 0 : i32
        %dma_start3A_311 = arith.constant 0 : i32
        %dma_start3A_312 = tpu.memref_slice %arg6[%dma_start3A_309, %dma_start3A_310, %dma_start3A_311] : memref<5x128x128xf32, #tpu.memory_space<vmem>> -> memref<1x128x128xf32, #tpu.memory_space<vmem>>
        %dma_start3A_313 = tpu.memref_squeeze %dma_start3A_312 : memref<1x128x128xf32, #tpu.memory_space<vmem>> -> memref<128x128xf32, #tpu.memory_space<vmem>>
        %dma_start3A_314 = arith.constant 0 : i32
        %dma_start3A_315 = tpu.memref_slice %arg5[%add3A_300, %dma_start3A_314] : memref<50x128xi32, #tpu.memory_space<vmem>> -> memref<1x128xi32, #tpu.memory_space<vmem>>
        %dma_start3A_316 = tpu.memref_squeeze %dma_start3A_315 : memref<1x128xi32, #tpu.memory_space<vmem>> -> memref<128xi32, #tpu.memory_space<vmem>>
        %dma_start3A_317 = arith.constant 0 : i32
        %dma_start3A_318 = arith.constant 0 : i32
        %dma_start3A_319 = tpu.memref_slice %arg3[%dma_start3A_317, %dma_start3A_318] : memref<100000x128xf32, #tpu.memory_space<hbm>> -> memref<100000x128xf32, #tpu.memory_space<hbm>>
        tpu.enqueue_indirect_dma source(%dma_start3A_319 : memref<100000x128xf32, #tpu.memory_space<hbm>>) target(%dma_start3A_313 : memref<128x128xf32, #tpu.memory_space<vmem>>) offsets(%dma_start3A_316 : memref<128xi32, #tpu.memory_space<vmem>>) semaphore(%arg10 : memref<!tpu.dma_semaphore, #tpu.memory_space<semaphore_mem>>)
      } else {
      }
    }
    %scan3A_65 = arith.constant 10 : i32
    %add3A_66 = arith.constant 200704 : i32
    %add3A_67 = arith.addi %add3A_66, %mul3A_2 : i32
    %dma_wait3A = arith.constant 4 : i32
    %dma_wait3A_68 = arith.constant 0 : i32
    %dma_wait3A_69 = arith.constant 0 : i32
    %dma_wait3A_70 = tpu.memref_slice %arg6[%dma_wait3A, %dma_wait3A_68, %dma_wait3A_69] : memref<5x128x128xf32, #tpu.memory_space<vmem>> -> memref<1x128x128xf32, #tpu.memory_space<vmem>>
    %dma_wait3A_71 = tpu.memref_squeeze %dma_wait3A_70 : memref<1x128x128xf32, #tpu.memory_space<vmem>> -> memref<128x128xf32, #tpu.memory_space<vmem>>
    %dma_wait3A_72 = arith.constant 0 : i32
    %dma_wait3A_73 = tpu.memref_slice %arg4[%add3A_67, %dma_wait3A_72] : memref<204800x128xf32, #tpu.memory_space<hbm>> -> memref<128x128xf32, #tpu.memory_space<hbm>>
    %dma_wait3A_74 = arith.constant 0 : i32
    %dma_wait3A_75 = tpu.memref_slice %arg4[%add3A_67, %dma_wait3A_74] : memref<204800x128xf32, #tpu.memory_space<hbm>> -> memref<128x128xf32, #tpu.memory_space<hbm>>
    %dma_wait3A_76 = arith.constant 0 : i32
    %dma_wait3A_77 = arith.constant 0 : i32
    %dma_wait3A_78 = tpu.memref_slice %arg6[%dma_wait3A, %dma_wait3A_76, %dma_wait3A_77] : memref<5x128x128xf32, #tpu.memory_space<vmem>> -> memref<1x128x128xf32, #tpu.memory_space<vmem>>
    %dma_wait3A_79 = tpu.memref_squeeze %dma_wait3A_78 : memref<1x128x128xf32, #tpu.memory_space<vmem>> -> memref<128x128xf32, #tpu.memory_space<vmem>>
    tpu.wait_dma2 semaphore(%arg16 : memref<!tpu.dma_semaphore, #tpu.memory_space<semaphore_mem>>) src(%dma_wait3A_79 : memref<128x128xf32, #tpu.memory_space<vmem>>) dst(%dma_wait3A_75 : memref<128x128xf32, #tpu.memory_space<hbm>>)
    return
  }
}

</mosaic_0001>

<sc_bundles>
// kernel: kernel.3.cloned.1.call-start
scs
__scs_entry_jumppad:
0x0: {  	(pc) =	sbr.rel $0x88, $3  }
0x1: {  	(tag) =	ssettag $0x0;
	lr =	simm.s32 $0x1  }
0x2: {  	[smem:$0x3F9F] =	sst lr;
	_ =	strace $0xD0000000  }
0x3: {  	_ = 	snop  }
0x4: {  	_ = 	snop  }
0x5: {  	_ = 	snop  }
0x6: {  	_ = 	snop  }
0x7: {  	_ = 	snop  }
__scs_overlays_trampoline_lowered:
0x8: {  	[smem:$0x3FAE] =	sst s0  }
0x9: {  	[smem:$0x3FAF] =	sst s1  }
0xa: {  	[smem:$0x3FB0] =	sst s2  }
0xb: {  	[smem:$0x3FB1] =	sst s3  }
0xc: {  	[smem:$0x3FB2] =	sst s4  }
0xd: {  	[smem:$0x3FB3] =	sst s5  }
0xe: {  	[smem:$0x3FB4] =	sst s6  }
0xf: {  	[smem:$0x3FB5] =	sst s7  }
0x10: {  	[smem:$0x3FB6] =	sst s8  }
0x11: {  	[smem:$0x3FB7] =	sst s9;
	s0 =	simm.s32 @!p0 $0x0  }
0x12: {  	s1 =	sld [smem:$0x3F9D];
	s0 =	simm.s32 @p0 $0x1  }
0x13: {  	[smem:$0x3FB8] =	sst s0;
	s0 =	simm.s32 @!p1 $0x0  }
0x14: {  	s2 =	sld [smem:$0x3F9C];
	s0 =	simm.s32 @p1 $0x1  }
0x15: {  	[smem:$0x3FB9] =	sst s0;
	s0 =	simm.s32 @!p2 $0x0  }
0x16: {  	s3 =	sld [smem:$0x3FDB];
	s0 =	simm.s32 @p2 $0x1  }
0x17: {  	s4 =	simm.s32 $0x1BF5;
	[smem:$0x3FBB] =	sst s0  }
0x18: {  	s0 =	sld [smem:$0x3F9E];
	_ =	swait.ge [sflag:s4], $0x0  }
0x19: {  	s7 =	sld [smem:$0x3F9F]  }
0x1a: {  	s8 =	sadd.s32 $0xFFFFE003, lr  }
0x1b: {  	s9 =	sadd.s32 $0xFFFFFEF7, lr;
	s5 =	simm.s32 $0xFFFFFFFF;
	p2 =	slt.u32 s8, $0xFFFFF086  }
0x1c: {  	p1 =	slt.u32 s9, $0xF7A;
	s5 =	simm.s32 @!p2 $0x0  }
0x1d: {  	s5 =	simm.s32 @p1 $0x1;
	p0 =	seq.s32 s7, s2  }
0x1e: {  	s7 =	smul.u32 @!p0 $0xF7A, s2;
	p2 =	seq.s32 @!p0 s5, $0x0  }
0x1f: {  	s9 =	smul.u32 $0xF7A, s1;
	s8 =	simm.s32 @!p0 $0x1BF5;
	p2 =	por !p2, p0  }
0x20: {  	[sflag:s8] =	ssyncset.s32 @!p0 $0xFFFFF086;
	s6 =	sadd.s32 @!p0 s3, s7;
	s7 =	simm.s32 @!p0 $0x108  }
0x21: {  	s3 =	sadd.s32 s3, s9;
	s6 =	sadd.s32 @!p0 $0x88, s6;
	s7 =	simm.s32 @p2 $0x1082  }
0x22: {  	[simem:s7], [sflag:s8] =	dma.local @!p0 [hbm:s6], $0xF7A  }
0x23: {  	s9 =	sor.u32 $0xD0000000, s2;
	s6 =	simm.s32 $0x108;
	_ =	swait.ge @!p0 [sflag:s8], $0x0  }
0x24: {  	s3 =	sadd.s32 $0x88, s3;
	s6 =	simm.s32 @!p1 $0x1082;
	[sflag:s4] =	ssyncset.s32 $0xFFFFF086  }
0x25: {  	[simem:s6], [sflag:s4] =	dma.local [hbm:s3], $0xF7A  }
0x26: {  	[smem:$0x3F9F] =	sst s1;
	(tag) =	ssettag s2;
	_ =	strace s9  }
0x27: {  	s1 =	sld [smem:$0x3FAF]  }
0x28: {  	s2 =	sld [smem:$0x3FB0]  }
0x29: {  	s4 =	sld [smem:$0x3FB2]  }
0x2a: {  	p0 =	seq.s32 s5, $0x0;
	s5 =	sld [smem:$0x3FB3]  }
0x2b: {  	s6 =	sld [smem:$0x3FB4]  }
0x2c: {  	s7 =	sld [smem:$0x3FB5]  }
0x2d: {  	s3 =	simm.s32 $0x108;
	s8 =	sld [smem:$0x3FB6]  }
0x2e: {  	s3 =	simm.s32 @!p0 $0x1082;
	s9 =	sld [smem:$0x3FB7]  }
0x2f: {  	lr =	sadd.s32 s0, s3;
	s0 =	sld [smem:$0x3FAE]  }
0x30: {  	s3 =	sld [smem:$0x3FB1]  }
0x31: {  	[smem:$0x3FBA] =	sst s10  }
0x32: {  	s10 =	sld [smem:$0x3FB8];
	_ =	sdelay $0x3  }
0x33: {  	p0 =	seq.s32 s10, $0x1;
	s10 =	sld [smem:$0x3FBA];
	_ =	sdelay $0x3  }
0x34: {  	[smem:$0x3FBA] =	sst s10  }
0x35: {  	s10 =	sld [smem:$0x3FB9];
	_ =	sdelay $0x3  }
0x36: {  	p1 =	seq.s32 s10, $0x1;
	s10 =	sld [smem:$0x3FBA];
	_ =	sdelay $0x3  }
0x37: {  	[smem:$0x3FBA] =	sst s10  }
0x38: {  	s10 =	sld [smem:$0x3FBB]  }
0x39: {  	_ = 	snop;
	(pc) =	sbr.ind lr, $3  }
0x3a: {  	_ = 	snop  }
0x3b: {  	_ = 	snop  }
0x3c: {  	p2 =	seq.s32 s10, $0x1;
	s10 =	sld [smem:$0x3FBA]  }
0x3d: {  	_ =	shalt  }
0x3e: {  	_ =	shalt  }
0x3f: {  	_ =	shalt  }
0x40: {  	_ =	shalt  }
0x41: {  	_ =	shalt  }
0x42: {  	_ =	shalt  }
0x43: {  	_ =	shalt  }
0x44: {  	_ =	shalt  }
0x45: {  	_ =	shalt  }
0x46: {  	_ =	shalt  }
0x47: {  	_ =	shalt  }
0x48: {  	_ =	shalt  }
0x49: {  	_ =	shalt  }
0x4a: {  	_ =	shalt  }
0x4b: {  	_ =	shalt  }
0x4c: {  	_ =	shalt  }
0x4d: {  	_ =	shalt  }
0x4e: {  	_ =	shalt  }
0x4f: {  	_ =	shalt  }
0x50: {  	_ =	shalt  }
0x51: {  	_ =	shalt  }
0x52: {  	_ =	shalt  }
0x53: {  	_ =	shalt  }
0x54: {  	_ =	shalt  }
0x55: {  	_ =	shalt  }
0x56: {  	_ =	shalt  }
0x57: {  	_ =	shalt  }
0x58: {  	_ =	shalt  }
0x59: {  	_ =	shalt  }
0x5a: {  	_ =	shalt  }
0x5b: {  	_ =	shalt  }
0x5c: {  	_ =	shalt  }
0x5d: {  	_ =	shalt  }
0x5e: {  	_ =	shalt  }
0x5f: {  	_ =	shalt  }
0x60: {  	_ =	shalt  }
0x61: {  	_ =	shalt  }
0x62: {  	_ =	shalt  }
0x63: {  	_ =	shalt  }
0x64: {  	_ =	shalt  }
0x65: {  	_ =	shalt  }
0x66: {  	_ =	shalt  }
0x67: {  	_ =	shalt  }
0x68: {  	_ =	shalt  }
0x69: {  	_ =	shalt  }
0x6a: {  	_ =	shalt  }
0x6b: {  	_ =	shalt  }
0x6c: {  	_ =	shalt  }
0x6d: {  	_ =	shalt  }
0x6e: {  	_ =	shalt  }
0x6f: {  	_ =	shalt  }
0x70: {  	_ =	shalt  }
0x71: {  	_ =	shalt  }
0x72: {  	_ =	shalt  }
0x73: {  	_ =	shalt  }
0x74: {  	_ =	shalt  }
0x75: {  	_ =	shalt  }
0x76: {  	_ =	shalt  }
0x77: {  	_ =	shalt  }
0x78: {  	_ =	shalt  }
0x79: {  	_ =	shalt  }
0x7a: {  	_ =	shalt  }
0x7b: {  	_ =	shalt  }
0x7c: {  	_ =	shalt  }
0x7d: {  	_ =	shalt  }
0x7e: {  	_ =	shalt  }
0x7f: {  	_ =	shalt  }
0x80: {  	_ =	shalt  }
0x81: {  	_ =	shalt  }
0x82: {  	_ =	shalt  }
0x83: {  	_ =	shalt  }
0x84: {  	_ =	shalt  }
0x85: {  	_ =	shalt  }
0x86: {  	_ =	shalt  }
0x87: {  	_ =	shalt  }
.Lfunc_end0:
.L_simem_size_0:
called_computation_lowered:
.L_overlay_start_0:
0x88: {  	s2 =	sld [smem:$0x3FD9]  }
0x89: {  	s3 =	sld [smem:$0x3FFE];
	_ =	sdelay $0x1  }
0x8a: {  	s1 =	srdreg.scid  }
0x8b: {  	s0 =	sand.u32 $0x1, s1  }
0x8c: {  	s18 =	sshll.u32 s0, $0xA;
	s2 =	sadd.s32 s3, s2  }
0x8d: {  	s2 =	sadd.s32 s2, s18  }
0x8e: {  	[smem:$0x3FC6] =	sst s2  }
0x8f: {  	_ = 	snop  }
0x90: {  	s2 =	sld [smem:$0x3FC9]  }
0x91: {  	s19 =	sld [smem:$0x3FC8]  }
0x92: {  	s4 =	sld [smem:$0x3FD0];
	(tm) =	ssettm $0x1  }
0x93: {  	s5 =	sld [smem:$0x3FFB];
	_ =	sdelay $0x3  }
0x94: {  	_ =	strace s5  }
0x95: {  	s5 =	sld [smem:$0x3FFC];
	_ =	sdelay $0x3  }
0x96: {  	_ =	strace s5  }
0x97: {  	s5 =	sld [smem:$0x3FFD];
	_ =	sdelay $0x3  }
0x98: {  	_ =	strace s5  }
0x99: {  	_ =	strace $0x8FFFFFFF  }
0x9a: {  	s20 =	sld [smem:$0x3FDB];
	_ =	sdelay $0x1  }
0x9b: {  	s6 =	simm.s32 $_scs_section_size  }
0x9c: {  	s7 =	simm.s32 $_size__tile_overlayer_lowered;
	s8 =	simm.s32 $_tile_overlayer_lowered  }
0x9d: {  	s23 =	simm.s32 $0x1BFF;
	s22 =	sshll.u32 s8, $0x1;
	s5 =	sadd.s32 s6, s20  }
0x9e: {  	s9 =	simm.s32 $0x0;
	s21 =	sshll.u32 s7, $0x1;
	s7 =	sadd.s32 s22, s5  }
0x9f: {  	[timem:s9], [sflag:s23] =	dma.local [hbm:s7], s21  }
0xa0: {  	_ =	swait.ge [sflag:s23], s21  }
0xa1: {  	s6 =	ssub.s32 $0x0, s21;
	[sflag:s23] =	ssyncset.done $0x0  }
0xa2: {  	[sflag:s23] =	ssyncadd.s32 s6;
	_ =	sdelay $0x1  }
0xa3: {  	s24 =	simm.s32 $0x1B8B  }
0xa4: {  	_ =	swait.ge [sflag:s24], $0x1  }
0xa5: {  	[sflag:s24] =	ssyncset.done $0x0  }
0xa6: {  	s25 =	simm.s32 $0x1B8E;
	[sflag:s24] =	ssyncadd.s32 $0xFFFFFFFF  }
0xa7: {  	s26 =	simm.s32 $execute0_lowered;
	[smem:$0x3FD2] =	sst s25  }
0xa8: {  	s6 =	sshll.u32 s26, $0x1;
	_ =	strace $0x80000046;
	[dreg:$0x1] =	wrdreg $0xFFFFFFFF  }
0xa9: {  	s28 =	simm.s32 $_size_execute0_lowered;
	s5 =	sadd.s32 s5, s6;
	[dreg:$0x0] =	wrdreg $0x0  }
0xaa: {  	s6 =	sshll.u32 s28, $0x1;
	[dreg:$0x2] =	wrdreg s5  }
0xab: {  	[dreg:$0x3] =	wrdreg s6  }
0xac: {  	[dreg:$0x4] =	wrdreg $0xC0  }
0xad: {  	_ =	task [dreg:s9], $0x5FFFF  }
0xae: {  	[dreg:$0x1] =	wrdreg $0xFFFFFFFF  }
0xaf: {  	[dreg:$0x0] =	wrdreg $0x60  }
0xb0: {  	[dreg:$0x2] =	wrdreg s2  }
0xb1: {  	[dreg:$0x3] =	wrdreg s19  }
0xb2: {  	[dreg:$0x4] =	wrdreg s4  }
0xb3: {  	[dreg:$0x5] =	wrdreg $0x9  }
0xb4: {  	_ =	task.clear_ibuf [dreg:s9], $0x6FFFF;
	_ =	strace $0x90000046  }
0xb5: {  	s29 =	simm.s32 $0x9;
	_ =	strace $0x80000048  }
0xb6: {  	_ =	swait.ge [sflag:s29], $0x1  }
0xb7: {  	[sflag:s29] =	ssyncadd.s32 $0xFFFFFFFF  }
0xb8: {  	_ =	strace $0x90000048  }
0xb9: {  	_ =	sfence  }
0xba: {  	s30 =	sld [smem:$0x0];
	_ =	sdelay $0x2  }
0xbb: {  	s31 =	sshll.u32 s1, $0xD;
	s1 =	sshrl.u32 s1, $0x2  }
0xbc: {  	s3 =	sand.u32 $0x4000, s31;
	s1 =	sadd.s32 s1, s30  }
0xbd: {  	s0 =	sor.u32 s3, s0;
	s1 =	sshll.u32 s1, $0x11  }
0xbe: {  	s0 =	sor.u32 s1, s0  }
0xbf: {  	s0 =	sadd.s32 $0x8F2B, s0  }
0xc0: {  	[sflag:s0] =	ssyncadd.remote.s32 $0x1  }
0xc1: {  	_ =	sfence.sel $0xFFFF  }
0xc2: {  	[dreg:$0x0] =	wrdreg $0xFFFFFFFF;
	(pc) =	sbr.abs _section_cstart, $3  }
0xc3: {  	[dreg:$0x1] =	wrdreg $0xFFFFFFFF  }
0xc4: {  	_ =	task.clear_ibuf [dreg:s9], $0x2FFFF;
	_ =	strace $0x9FFFFFFF  }
0xc5: {  	(tm) =	ssettm $0x7FFFFFFF  }
tec
execute0_lowered:
.L_overlay_start_1:
0x0: {  	(tag) =	ssettag $0x1  }
0x1: {  	s0 =	rddreg [dreg:$0x0]  }
0x2: {  	s1 =	rddreg [dreg:$0x1]  }
0x3: {  	s3 =	rddreg [dreg:$0x2];
	s4 =	srdreg.scid;
	s2 =	simm.s32 $0x0  }
0x4: {  	s10 =	stileid.u32;
	s12 =	simm.s32 $0xB;
	s13 =	simm.s32 $0x80  }
0x5: {  	s14 =	simm.s32 $0x1C00;
	s15 =	simm.s32 $0x5C00;
	s17 =	simm.s32 $0x9C00  }
0x6: {  	s19 =	simm.s32 $0xDC00;
	s28 =	simm.s32 $0x4;
	s29 =	simm.s32 $0x8  }
0x7: {  	s30 =	simm.s32 $0x5;
	s31 =	simm.s32 $0x9;
	s9 =	sand.u32 $0x1, s4  }
0x8: {  	[smem:$0x7FF] =	sst s2;
	s20 =	sshll.u32 s10, $0x8;
	s6 =	sshll.u32 s10, $0xF  }
0x9: {  	s10 =	sshll.u32 s10, $0xC;
	s4 =	ssub.s32 $0x2, s9;
	_ =	strace $0x80000047  }
0xa: {  	s21 =	sshll.u32 s9, $0x7;
	s8 =	sshll.u32 s9, $0xE;
	s25 =	sadd.s32 s10, s3  }
0xb: {  	s26 =	sshll.u32 s9, $0xB;
	s5 =	sshrl.u32 s4, $0x1;
	s8 =	sor.u32 s8, s6  }
0xc: {  	s9 =	sadd.s32 s26, s25;
	s25 =	simm.s32 $0x3;
	s26 =	simm.s32 $0x7  }
0xd: {  	s7 =	ssub.s32 s4, s5;
	s5 =	sor.u32 s21, s20;
	s24 =	sor.u32 $0x80000, s8  }
.Ltmp0:
0xe: {  	s21 =	simm.s32 $0x11C00;
	s4 =	sadd.s32 s0, s5;
	(pc) =	sbr.rel .LBB2_1-.Ltmp0, $4  }
0xf: {  	s22 =	sshll.u32 s5, $0x4;
	s7 =	smax.u32 s7, $0x1;
	s0 =	sshrl.u32 s24, $0x3  }
0x10: {  	s24 =	simm.s32 $0x6;
	s23 =	sadd.s32 $0x6000, s4;
	s6 =	sadd.s32 s3, s22  }
0x11: {  	s8 =	sadd.s32 s0, s3;
	s22 =	simm.s32 $0x1;
	s0 =	simm.s32 $0xA  }
0x12: {  	s3 =	simm.s32 $0x0;
	[dreg:$0x4] =	wrdreg s23;
	s23 =	simm.s32 $0x2  }
.LBB2_4:
0x13: {  	s3 =	sadd.s32 $0x1, s3  }
0x14: {  	p0 =	sne.s32 s3, s7  }
.Ltmp1:
0x15: {  	_ = 	snop;
	(pc) =	sbr.rel @!p0 .LBB2_5-.Ltmp1, $4  }
0x16: {  	_ = 	snop  }
0x17: {  	_ =	swait.ge [sflag:s0], $0x4000  }
0x18: {  	[sflag:s0] =	ssyncset.done $0x0  }
0x19: {  	[sflag:s0] =	ssyncadd.s32 $0xFFFFC000  }
.LBB2_1:
0x1a: {  	s10 =	simm.s32 $0x400;
	s5 =	simm.s32 $0x8000  }
0x1b: {  	[tilespmem:s2], [sflag:$0xB] =	stream.strided.gather [hbm4b:s4+s10], $0x1800, s5, s10, $0x38;
	[tilespmem:$0x15C00] =	vst v63  }
0x1c: {  	s20 =	rddreg [dreg:$0x4];
	s11 =	simm.s32 $0x1800  }
0x1d: {  	[tilespmem:s11], [sflag:$0xB] =	stream.linear.gather [hbm4b:s20+s2], $0x100, $0x38;
	[tilespmem:$0x15C00] =	vst v63  }
0x1e: {  	_ =	swait.ge [sflag:s12], $0x1900  }
0x1f: {  	[sflag:s12] =	ssyncset.done $0x0  }
0x20: {  	[sflag:s12] =	ssyncadd.s32 $0xFFFFE700  }
0x21: {  	[tilespmem:s14], [sflag:$0x1] =	stream.indirect.gather [hbm4b:s1+s13], $0x80, s2, s13, $0xb8;
	[tilespmem:$0x15C00] =	vst v63  }
0x22: {  	_ = 	snop  }
0x23: {  	[tilespmem:s15], [sflag:$0x2] =	stream.indirect.gather [hbm4b:s1+s13], $0x80, s13, s13, $0xb8;
	[tilespmem:$0x15C00] =	vst v63  }
0x24: {  	s16 =	simm.s32 $0x100  }
0x25: {  	[tilespmem:s17], [sflag:$0x3] =	stream.indirect.gather [hbm4b:s1+s13], $0x80, s16, s13, $0xb8;
	[tilespmem:$0x15C00] =	vst v63  }
0x26: {  	s18 =	simm.s32 $0x180  }
0x27: {  	[tilespmem:s19], [sflag:$0x4] =	stream.indirect.gather [hbm4b:s1+s13], $0x80, s18, s13, $0xb8;
	[tilespmem:$0x15C00] =	vst v63  }
0x28: {  	s20 =	simm.s32 $0x200;
	s11 =	simm.s32 $0x40000  }
0x29: {  	[tilespmem:s21], [sflag:$0x5] =	stream.indirect.gather [hbm4b:s1+s13], $0x80, s20, s13, $0xb8;
	[tilespmem:$0x15C00] =	vst v63  }
.LBB2_2:
0x2a: {  	_ =	swait.ge [sflag:s22], $0x4000  }
0x2b: {  	s16 =	sadd.s32 s11, s9;
	[sflag:s22] =	ssyncset.done $0x0  }
0x2c: {  	p0 =	seq.s32 s11, $0x40000;
	s18 =	sadd.s32 $0xFFFC0000, s16;
	[sflag:s22] =	ssyncadd.s32 $0xFFFFC000  }
0x2d: {  	[hbm4b:s18+s2] =	stream.linear.scatter [tilespmem:s14], [sflag:$0x6], $0x4000, $0x38;
	[tilespmem:$0x15C00] =	vst v63  }
0x2e: {  	s18 =	simm.s32 @!p0 $0xA  }
0x2f: {  	_ =	swait.ge @!p0 [sflag:s18], $0x4000  }
0x30: {  	s20 =	simm.s32 @!p0 $0x80;
	[sflag:s18] =	ssyncset.done @!p0 $0x0  }
0x31: {  	s5 =	simm.s32 @!p0 $0x11C00;
	[sflag:s18] =	ssyncadd.s32 @!p0 $0xFFFFC000;
	s18 =	sadd.s32 @!p0 $0xFFFFFE00, s10  }
0x32: {  	[tilespmem:s5], [sflag:$0x5] =	stream.indirect.gather @!p0 [hbm4b:s1+s20], $0x80, s18, s20, $0xb8;
	[tilespmem:$0x15C00] =	vst v63  }
0x33: {  	_ =	swait.ge [sflag:s23], $0x4000  }
0x34: {  	s18 =	sadd.s32 s11, s8;
	[sflag:s23] =	ssyncset.done $0x0  }
0x35: {  	s5 =	sadd.s32 $0xFFFC0000, s18;
	[sflag:s23] =	ssyncadd.s32 $0xFFFFC000  }
0x36: {  	[hbm4b:s5+s2] =	stream.linear.scatter [tilespmem:s15], [sflag:$0x7], $0x4000, $0x38;
	[tilespmem:$0x15C00] =	vst v63  }
0x37: {  	p1 =	seq.s32 s11, $0x310000;
	_ =	swait.ge [sflag:s24], $0x4000  }
0x38: {  	s20 =	simm.s32 @!p1 $0x1C00;
	[sflag:s24] =	ssyncset.done $0x0  }
0x39: {  	s18 =	simm.s32 @!p1 $0x80;
	s5 =	sadd.s32 @!p1 $0xFFFFFE80, s10;
	[sflag:s24] =	ssyncadd.s32 $0xFFFFC000  }
0x3a: {  	[tilespmem:s20], [sflag:$0x1] =	stream.indirect.gather @!p1 [hbm4b:s1+s18], $0x80, s5, s18, $0xb8;
	[tilespmem:$0x15C00] =	vst v63  }
0x3b: {  	_ =	swait.ge [sflag:s25], $0x4000  }
0x3c: {  	[sflag:s25] =	ssyncset.done $0x0  }
0x3d: {  	s20 =	sadd.s32 $0xFFFE0000, s16;
	[sflag:s25] =	ssyncadd.s32 $0xFFFFC000  }
0x3e: {  	[hbm4b:s20+s2] =	stream.linear.scatter [tilespmem:s17], [sflag:$0x8], $0x4000, $0x38;
	[tilespmem:$0x15C00] =	vst v63  }
0x3f: {  	_ =	swait.ge [sflag:s26], $0x4000  }
0x40: {  	[sflag:s26] =	ssyncset.done $0x0  }
0x41: {  	s5 =	sadd.s32 @!p1 $0xFFFFFF00, s10;
	s20 =	simm.s32 @!p1 $0x5C00;
	[sflag:s26] =	ssyncadd.s32 $0xFFFFC000  }
0x42: {  	[tilespmem:s20], [sflag:$0x2] =	stream.indirect.gather @!p1 [hbm4b:s1+s18], $0x80, s5, s18, $0xb8;
	[tilespmem:$0x15C00] =	vst v63  }
0x43: {  	_ =	swait.ge [sflag:s28], $0x4000  }
0x44: {  	[sflag:s28] =	ssyncset.done $0x0  }
0x45: {  	s20 =	sadd.s32 $0xFFFF0000, s16;
	[sflag:s28] =	ssyncadd.s32 $0xFFFFC000  }
0x46: {  	[hbm4b:s20+s2] =	stream.linear.scatter [tilespmem:s19], [sflag:$0x9], $0x4000, $0x38;
	[tilespmem:$0x15C00] =	vst v63  }
0x47: {  	_ =	swait.ge [sflag:s29], $0x4000  }
0x48: {  	[sflag:s29] =	ssyncset.done $0x0  }
0x49: {  	s5 =	sadd.s32 @!p1 $0xFFFFFF80, s10;
	s16 =	simm.s32 @!p1 $0x9C00;
	[sflag:s29] =	ssyncadd.s32 $0xFFFFC000  }
0x4a: {  	[tilespmem:s16], [sflag:$0x3] =	stream.indirect.gather @!p1 [hbm4b:s1+s18], $0x80, s5, s18, $0xb8;
	[tilespmem:$0x15C00] =	vst v63  }
0x4b: {  	s5 =	smov.u32 s11;
	_ =	swait.ge [sflag:s30], $0x4000  }
0x4c: {  	s5 =	simm.s32 @p0 $0x40000;
	[sflag:s30] =	ssyncset.done $0x0  }
.Ltmp2:
0x4d: {  	s5 =	sadd.s32 s5, s6;
	[sflag:s30] =	ssyncadd.s32 $0xFFFFC000;
	(pc) =	sbr.rel @p1 .LBB2_4-.Ltmp2, $4  }
0x4e: {  	[hbm4b:s5+s2] =	stream.linear.scatter [tilespmem:s21], [sflag:$0xA], $0x4000, $0x38;
	[tilespmem:$0x15C00] =	vst v63  }
0x4f: {  	_ =	swait.ge [sflag:s31], $0x4000  }
0x50: {  	[sflag:s31] =	ssyncset.done $0x0  }
0x51: {  	[sflag:s31] =	ssyncadd.s32 $0xFFFFC000  }
.Ltmp3:
0x52: {  	(pc) =	sbr.rel .LBB2_2-.Ltmp3, $3  }
0x53: {  	_ =	sdelay $0x1  }
0x54: {  	[tilespmem:s19], [sflag:$0x4] =	stream.indirect.gather [hbm4b:s1+s13], $0x80, s10, s13, $0xb8;
	[tilespmem:$0x15C00] =	vst v63  }
0x55: {  	s10 =	sadd.s32 $0x280, s10;
	s11 =	sadd.s32 $0x50000, s11  }
.LBB2_5:
0x56: {  	_ =	sfence.sel $0x180000  }
0x57: {  	[bflag:$0x0] =	sbarrier.arrive $0xFFFF  }
0x58: {  	_ =	strace $0x90000047  }
0x59: {  	s0 =	stileid.u32;
	[bflag:$0x2] =	sbarrier.arrive $0xFFFF  }
0x5a: {  	p0 =	sne.s32 s0, $0x0;
	s0 =	rddreg [dreg:$0x3]  }
0x5b: {  	s0 =	sadd.s32 @!p0 $0x100000, s0  }
0x5c: {  	[sflag:s0] =	ssyncadd.tile.s32 @!p0 $0x1;
	_ =	shalt  }
.Lfunc_end2:
_tile_overlayer_lowered:
.L_overlay_start_2:
0x5d: {  	(tag) =	ssettag $0x2  }
0x5e: {  	s0 =	rddreg [dreg:$0x0];
	s2 =	stileid.u32  }
0x5f: {  	s1 =	rddreg [dreg:$0x1];
	p0 =	sne.s32 s2, $0x0  }
0x60: {  	s3 =	rddreg [dreg:$0x2];
	[bflag:$0x3] =	sbarrier.arrive $0xFFFF;
	s2 =	simm.s32 @!p0 $0x1C0B  }
0x61: {  	[timem:s3], [sflag:s2] =	dma.local @!p0 [hbm:s0], s1  }
0x62: {  	s0 =	simm.s32 @!p0 $0xB  }
0x63: {  	_ =	swait.ge @!p0 [sflag:s0], s1  }
0x64: {  	s1 =	ssub.s32 @!p0 $0x0, s1;
	[sflag:s0] =	ssyncset.done @!p0 $0x0  }
0x65: {  	[sflag:s0] =	ssyncadd.s32 @!p0 s1  }
0x66: {  	[bflag:$0x3] =	sbarrier.arrive $0xFFFF  }
0x67: {  	_ =	shalt  }

</sc_bundles>
